<compile_context>
chip_gen: v7x
topology: tpu7x:2x2x1
jax: 0.10.2.dev20260603
libtpu: 0.0.44.dev20260713+nightly
codegen_flags: <defaults>
</compile_context>

<pallas_src>
import functools

import jax
import jax.numpy as jnp
from jax import lax
from jax.experimental import pallas as pl
from jax.experimental.pallas import tpu as pltpu
from jax.experimental.pallas import tpu_sc as plsc

BATCH = 4096
SEQ = 50
VOCAB = 100000
EMBED = 64
SEQ_P = 56
EMB_P = 128

NC = 2
NS = 16
NW = NC * NS
B_PER_W = BATCH // NW
NBUF = 8
PF = 7


def _sc_gather(idx_grid, weight):
    mesh = plsc.VectorSubcoreMesh(core_axis_name="c", subcore_axis_name="s")

    @functools.partial(
        pl.kernel,
        mesh=mesh,
        out_type=jax.ShapeDtypeStruct((BATCH, SEQ_P, EMB_P), jnp.float32),
        scratch_types=[
            pltpu.VMEM((B_PER_W, SEQ), jnp.int32),
            pltpu.VMEM((NBUF, SEQ, EMBED), jnp.float32),
            [pltpu.SemaphoreType.DMA] * NBUF,
            [pltpu.SemaphoreType.DMA] * NBUF,
        ],
        compiler_params=pltpu.CompilerParams(use_tc_tiling_on_sc=False),
    )
    def k(idx_hbm, table_hbm, out_hbm, idx_v, rows_v, g_sems, o_sems):
        wid = lax.axis_index("s") * NC + lax.axis_index("c")
        base = wid * B_PER_W
        pltpu.sync_copy(idx_hbm.at[wid], idx_v)

        def out_dst(row):
            return out_hbm.at[row, pl.ds(0, SEQ), pl.ds(0, EMBED)]

        for j in range(PF):
            pltpu.async_copy(table_hbm.at[idx_v.at[j]], rows_v.at[j], g_sems[j])

        def body(g, carry):
            for b in range(NBUF):
                j = g * NBUF + b
                pltpu.make_async_copy(
                    table_hbm.at[idx_v.at[b]], rows_v.at[b], g_sems[b]
                ).wait()
                pltpu.async_copy(rows_v.at[b], out_dst(base + j), o_sems[b])
                bb = (b + PF) % NBUF

                @pl.when(jnp.logical_and(j + PF < B_PER_W, j + PF >= NBUF))
                def _():
                    pltpu.make_async_copy(
                        rows_v.at[bb], out_dst(base), o_sems[bb]
                    ).wait()

                @pl.when(j + PF < B_PER_W)
                def _():
                    pltpu.async_copy(
                        table_hbm.at[idx_v.at[j + PF]], rows_v.at[bb], g_sems[bb]
                    )
            return carry

        lax.fori_loop(0, B_PER_W // NBUF, body, 0)

        for b in range(NBUF):
            pltpu.make_async_copy(
                rows_v.at[b], out_dst(base), o_sems[b]
            ).wait()

    return k(idx_grid, weight)


def kernel(input_ids, weight):
    idx_grid = (input_ids.astype(jnp.int32) * 2).reshape(NW, B_PER_W, SEQ)
    table2 = jnp.pad(weight, ((0, 0), (0, EMBED))).reshape(2 * VOCAB, EMBED)
    out_p = _sc_gather(idx_grid, table2)
    return out_p[:, :SEQ, :EMBED]

# --- scband reference (transcript-rebuilt; emitter-appended) ---
"""Pipeline reference for scband-embedding-20882130993186 (READ-ONLY COPY).

The authoritative reference and input builder live on the scoring server;
editing this copy changes nothing except your own understanding.
"""

import jax, jax.numpy as jnp
import numpy as np

VOCAB = 100000
EMBED = 64
INIT_RANGE = 0.02

def setup_inputs(seed: int = 0) -> dict:
    key = jax.random.key(seed)
    k_ids, k_w = jax.random.split(key)
    input_ids = jax.random.randint(k_ids, (4096, 50), 0, VOCAB, dtype=jnp.int64 if jax.config.jax_enable_x64 else jnp.int32)
    weight = jax.random.normal(k_w, (VOCAB, EMBED), dtype=jnp.float32) * INIT_RANGE
    return {"input_ids": input_ids, "weight": weight}

def reference(input_ids, weight):
    # Faithful to Embedding.embed: weight.take(Vocab, input_ids)
    # i.e., gather rows of the embedding table along the Vocab axis.
    input_embeds = jnp.take(weight, input_ids, axis=0)
    return input_embeds

if __name__ == "__main__":
    import jax
    _d = setup_inputs()
    print(jax.jit(kernel)(*tuple(_d.values())))

</pallas_src>

<mosaic_0001>
#map = affine_map<(d0, d1) -> (0, 0, 0)>
#map1 = affine_map<(d0, d1) -> (0, 0)>
module attributes {stable_mosaic.version = 14 : i64} {
  func.func @k(%arg0: i32, %arg1: i32, %arg2: memref<32x128x50xi32, #tpu.memory_space<hbm>>, %arg3: memref<200000x64xf32, #tpu.memory_space<hbm>>, %arg4: memref<4096x56x128xf32, #tpu.memory_space<hbm>>, %arg5: memref<128x50xi32, #tpu.memory_space<vmem>>, %arg6: memref<8x50x64xf32, #tpu.memory_space<vmem>>, %arg7: memref<!tpu.dma_semaphore, #tpu.memory_space<semaphore_mem>>, %arg8: memref<!tpu.dma_semaphore, #tpu.memory_space<semaphore_mem>>, %arg9: memref<!tpu.dma_semaphore, #tpu.memory_space<semaphore_mem>>, %arg10: memref<!tpu.dma_semaphore, #tpu.memory_space<semaphore_mem>>, %arg11: memref<!tpu.dma_semaphore, #tpu.memory_space<semaphore_mem>>, %arg12: memref<!tpu.dma_semaphore, #tpu.memory_space<semaphore_mem>>, %arg13: memref<!tpu.dma_semaphore, #tpu.memory_space<semaphore_mem>>, %arg14: memref<!tpu.dma_semaphore, #tpu.memory_space<semaphore_mem>>, %arg15: memref<!tpu.dma_semaphore, #tpu.memory_space<semaphore_mem>>, %arg16: memref<!tpu.dma_semaphore, #tpu.memory_space<semaphore_mem>>, %arg17: memref<!tpu.dma_semaphore, #tpu.memory_space<semaphore_mem>>, %arg18: memref<!tpu.dma_semaphore, #tpu.memory_space<semaphore_mem>>, %arg19: memref<!tpu.dma_semaphore, #tpu.memory_space<semaphore_mem>>, %arg20: memref<!tpu.dma_semaphore, #tpu.memory_space<semaphore_mem>>, %arg21: memref<!tpu.dma_semaphore, #tpu.memory_space<semaphore_mem>>, %arg22: memref<!tpu.dma_semaphore, #tpu.memory_space<semaphore_mem>>) attributes {dimension_semantics = [#tpu.dimension_semantics<core_parallel>, #tpu.dimension_semantics<subcore_parallel>], iteration_bounds = array<i64: 2, 16>, scalar_prefetch = 0 : i64, scratch_operands = 18 : i64, tpu.core_type = #tpu.core_type<sc_vector_subcore>, window_params = [{transform_indices = #map}, {transform_indices = #map1}, {transform_indices = #map}]} {
    %mul3A = arith.constant 2 : i32
    %mul3A_0 = arith.muli %arg1, %mul3A : i32
    %add3A = arith.addi %mul3A_0, %arg0 : i32
    %mul3A_1 = arith.constant 128 : i32
    %mul3A_2 = arith.muli %add3A, %mul3A_1 : i32
    "tpu.region"() ({
      %run_scoped3A = tpu.sem_alloc : memref<!tpu.dma_semaphore, #tpu.memory_space<semaphore_mem>>
      %dma_start3A_226 = arith.constant 0 : i32
      %dma_start3A_227 = arith.constant 0 : i32
      %dma_start3A_228 = tpu.memref_slice %arg2[%add3A, %dma_start3A_226, %dma_start3A_227] : memref<32x128x50xi32, #tpu.memory_space<hbm>> -> memref<1x128x50xi32, #tpu.memory_space<hbm>>
      %dma_start3A_229 = tpu.memref_squeeze %dma_start3A_228 : memref<1x128x50xi32, #tpu.memory_space<hbm>> -> memref<128x50xi32, #tpu.memory_space<hbm>>
      %dma_start3A_230 = arith.constant 0 : i32
      %dma_start3A_231 = arith.constant 0 : i32
      %dma_start3A_232 = tpu.memref_slice %arg2[%add3A, %dma_start3A_230, %dma_start3A_231] : memref<32x128x50xi32, #tpu.memory_space<hbm>> -> memref<1x128x50xi32, #tpu.memory_space<hbm>>
      %dma_start3A_233 = tpu.memref_squeeze %dma_start3A_232 : memref<1x128x50xi32, #tpu.memory_space<hbm>> -> memref<128x50xi32, #tpu.memory_space<hbm>>
      tpu.enqueue_dma source(%dma_start3A_233 : memref<128x50xi32, #tpu.memory_space<hbm>>) target(%arg5 : memref<128x50xi32, #tpu.memory_space<vmem>>) target_semaphore(%run_scoped3A : memref<!tpu.dma_semaphore, #tpu.memory_space<semaphore_mem>>)
      %dma_wait3A_234 = arith.constant 0 : i32
      %dma_wait3A_235 = arith.constant 0 : i32
      %dma_wait3A_236 = tpu.memref_slice %arg2[%add3A, %dma_wait3A_234, %dma_wait3A_235] : memref<32x128x50xi32, #tpu.memory_space<hbm>> -> memref<1x128x50xi32, #tpu.memory_space<hbm>>
      %dma_wait3A_237 = tpu.memref_squeeze %dma_wait3A_236 : memref<1x128x50xi32, #tpu.memory_space<hbm>> -> memref<128x50xi32, #tpu.memory_space<hbm>>
      %dma_wait3A_238 = arith.constant 0 : i32
      %dma_wait3A_239 = arith.constant 0 : i32
      %dma_wait3A_240 = tpu.memref_slice %arg2[%add3A, %dma_wait3A_238, %dma_wait3A_239] : memref<32x128x50xi32, #tpu.memory_space<hbm>> -> memref<1x128x50xi32, #tpu.memory_space<hbm>>
      %dma_wait3A_241 = tpu.memref_squeeze %dma_wait3A_240 : memref<1x128x50xi32, #tpu.memory_space<hbm>> -> memref<128x50xi32, #tpu.memory_space<hbm>>
      tpu.wait_dma2 semaphore(%run_scoped3A : memref<!tpu.dma_semaphore, #tpu.memory_space<semaphore_mem>>) src(%dma_wait3A_241 : memref<128x50xi32, #tpu.memory_space<hbm>>) dst(%arg5 : memref<128x50xi32, #tpu.memory_space<vmem>>)
      tpu.yield
    }) : () -> ()
    %dma_start3A = arith.constant 0 : i32
    %dma_start3A_3 = arith.constant 0 : i32
    %dma_start3A_4 = arith.constant 0 : i32
    %dma_start3A_5 = arith.constant 0 : i32
    %dma_start3A_6 = tpu.memref_slice %arg6[%dma_start3A_3, %dma_start3A_4, %dma_start3A_5] : memref<8x50x64xf32, #tpu.memory_space<vmem>> -> memref<1x50x64xf32, #tpu.memory_space<vmem>>
    %dma_start3A_7 = tpu.memref_squeeze %dma_start3A_6 : memref<1x50x64xf32, #tpu.memory_space<vmem>> -> memref<50x64xf32, #tpu.memory_space<vmem>>
    %dma_start3A_8 = arith.constant 0 : i32
    %dma_start3A_9 = tpu.memref_slice %arg5[%dma_start3A, %dma_start3A_8] : memref<128x50xi32, #tpu.memory_space<vmem>> -> memref<1x50xi32, #tpu.memory_space<vmem>>
    %dma_start3A_10 = tpu.memref_squeeze %dma_start3A_9 : memref<1x50xi32, #tpu.memory_space<vmem>> -> memref<50xi32, #tpu.memory_space<vmem>>
    %dma_start3A_11 = arith.constant 0 : i32
    %dma_start3A_12 = arith.constant 0 : i32
    %dma_start3A_13 = tpu.memref_slice %arg3[%dma_start3A_11, %dma_start3A_12] : memref<200000x64xf32, #tpu.memory_space<hbm>> -> memref<200000x64xf32, #tpu.memory_space<hbm>>
    tpu.enqueue_indirect_dma source(%dma_start3A_13 : memref<200000x64xf32, #tpu.memory_space<hbm>>) target(%dma_start3A_7 : memref<50x64xf32, #tpu.memory_space<vmem>>) offsets(%dma_start3A_10 : memref<50xi32, #tpu.memory_space<vmem>>) semaphore(%arg7 : memref<!tpu.dma_semaphore, #tpu.memory_space<semaphore_mem>>)
    %dma_start3A_14 = arith.constant 1 : i32
    %dma_start3A_15 = arith.constant 1 : i32
    %dma_start3A_16 = arith.constant 0 : i32
    %dma_start3A_17 = arith.constant 0 : i32
    %dma_start3A_18 = tpu.memref_slice %arg6[%dma_start3A_15, %dma_start3A_16, %dma_start3A_17] : memref<8x50x64xf32, #tpu.memory_space<vmem>> -> memref<1x50x64xf32, #tpu.memory_space<vmem>>
    %dma_start3A_19 = tpu.memref_squeeze %dma_start3A_18 : memref<1x50x64xf32, #tpu.memory_space<vmem>> -> memref<50x64xf32, #tpu.memory_space<vmem>>
    %dma_start3A_20 = arith.constant 0 : i32
    %dma_start3A_21 = tpu.memref_slice %arg5[%dma_start3A_14, %dma_start3A_20] : memref<128x50xi32, #tpu.memory_space<vmem>> -> memref<1x50xi32, #tpu.memory_space<vmem>>
    %dma_start3A_22 = tpu.memref_squeeze %dma_start3A_21 : memref<1x50xi32, #tpu.memory_space<vmem>> -> memref<50xi32, #tpu.memory_space<vmem>>
    %dma_start3A_23 = arith.constant 0 : i32
    %dma_start3A_24 = arith.constant 0 : i32
    %dma_start3A_25 = tpu.memref_slice %arg3[%dma_start3A_23, %dma_start3A_24] : memref<200000x64xf32, #tpu.memory_space<hbm>> -> memref<200000x64xf32, #tpu.memory_space<hbm>>
    tpu.enqueue_indirect_dma source(%dma_start3A_25 : memref<200000x64xf32, #tpu.memory_space<hbm>>) target(%dma_start3A_19 : memref<50x64xf32, #tpu.memory_space<vmem>>) offsets(%dma_start3A_22 : memref<50xi32, #tpu.memory_space<vmem>>) semaphore(%arg8 : memref<!tpu.dma_semaphore, #tpu.memory_space<semaphore_mem>>)
    %dma_start3A_26 = arith.constant 2 : i32
    %dma_start3A_27 = arith.constant 2 : i32
    %dma_start3A_28 = arith.constant 0 : i32
    %dma_start3A_29 = arith.constant 0 : i32
    %dma_start3A_30 = tpu.memref_slice %arg6[%dma_start3A_27, %dma_start3A_28, %dma_start3A_29] : memref<8x50x64xf32, #tpu.memory_space<vmem>> -> memref<1x50x64xf32, #tpu.memory_space<vmem>>
    %dma_start3A_31 = tpu.memref_squeeze %dma_start3A_30 : memref<1x50x64xf32, #tpu.memory_space<vmem>> -> memref<50x64xf32, #tpu.memory_space<vmem>>
    %dma_start3A_32 = arith.constant 0 : i32
    %dma_start3A_33 = tpu.memref_slice %arg5[%dma_start3A_26, %dma_start3A_32] : memref<128x50xi32, #tpu.memory_space<vmem>> -> memref<1x50xi32, #tpu.memory_space<vmem>>
    %dma_start3A_34 = tpu.memref_squeeze %dma_start3A_33 : memref<1x50xi32, #tpu.memory_space<vmem>> -> memref<50xi32, #tpu.memory_space<vmem>>
    %dma_start3A_35 = arith.constant 0 : i32
    %dma_start3A_36 = arith.constant 0 : i32
    %dma_start3A_37 = tpu.memref_slice %arg3[%dma_start3A_35, %dma_start3A_36] : memref<200000x64xf32, #tpu.memory_space<hbm>> -> memref<200000x64xf32, #tpu.memory_space<hbm>>
    tpu.enqueue_indirect_dma source(%dma_start3A_37 : memref<200000x64xf32, #tpu.memory_space<hbm>>) target(%dma_start3A_31 : memref<50x64xf32, #tpu.memory_space<vmem>>) offsets(%dma_start3A_34 : memref<50xi32, #tpu.memory_space<vmem>>) semaphore(%arg9 : memref<!tpu.dma_semaphore, #tpu.memory_space<semaphore_mem>>)
    %dma_start3A_38 = arith.constant 3 : i32
    %dma_start3A_39 = arith.constant 3 : i32
    %dma_start3A_40 = arith.constant 0 : i32
    %dma_start3A_41 = arith.constant 0 : i32
    %dma_start3A_42 = tpu.memref_slice %arg6[%dma_start3A_39, %dma_start3A_40, %dma_start3A_41] : memref<8x50x64xf32, #tpu.memory_space<vmem>> -> memref<1x50x64xf32, #tpu.memory_space<vmem>>
    %dma_start3A_43 = tpu.memref_squeeze %dma_start3A_42 : memref<1x50x64xf32, #tpu.memory_space<vmem>> -> memref<50x64xf32, #tpu.memory_space<vmem>>
    %dma_start3A_44 = arith.constant 0 : i32
    %dma_start3A_45 = tpu.memref_slice %arg5[%dma_start3A_38, %dma_start3A_44] : memref<128x50xi32, #tpu.memory_space<vmem>> -> memref<1x50xi32, #tpu.memory_space<vmem>>
    %dma_start3A_46 = tpu.memref_squeeze %dma_start3A_45 : memref<1x50xi32, #tpu.memory_space<vmem>> -> memref<50xi32, #tpu.memory_space<vmem>>
    %dma_start3A_47 = arith.constant 0 : i32
    %dma_start3A_48 = arith.constant 0 : i32
    %dma_start3A_49 = tpu.memref_slice %arg3[%dma_start3A_47, %dma_start3A_48] : memref<200000x64xf32, #tpu.memory_space<hbm>> -> memref<200000x64xf32, #tpu.memory_space<hbm>>
    tpu.enqueue_indirect_dma source(%dma_start3A_49 : memref<200000x64xf32, #tpu.memory_space<hbm>>) target(%dma_start3A_43 : memref<50x64xf32, #tpu.memory_space<vmem>>) offsets(%dma_start3A_46 : memref<50xi32, #tpu.memory_space<vmem>>) semaphore(%arg10 : memref<!tpu.dma_semaphore, #tpu.memory_space<semaphore_mem>>)
    %dma_start3A_50 = arith.constant 4 : i32
    %dma_start3A_51 = arith.constant 4 : i32
    %dma_start3A_52 = arith.constant 0 : i32
    %dma_start3A_53 = arith.constant 0 : i32
    %dma_start3A_54 = tpu.memref_slice %arg6[%dma_start3A_51, %dma_start3A_52, %dma_start3A_53] : memref<8x50x64xf32, #tpu.memory_space<vmem>> -> memref<1x50x64xf32, #tpu.memory_space<vmem>>
    %dma_start3A_55 = tpu.memref_squeeze %dma_start3A_54 : memref<1x50x64xf32, #tpu.memory_space<vmem>> -> memref<50x64xf32, #tpu.memory_space<vmem>>
    %dma_start3A_56 = arith.constant 0 : i32
    %dma_start3A_57 = tpu.memref_slice %arg5[%dma_start3A_50, %dma_start3A_56] : memref<128x50xi32, #tpu.memory_space<vmem>> -> memref<1x50xi32, #tpu.memory_space<vmem>>
    %dma_start3A_58 = tpu.memref_squeeze %dma_start3A_57 : memref<1x50xi32, #tpu.memory_space<vmem>> -> memref<50xi32, #tpu.memory_space<vmem>>
    %dma_start3A_59 = arith.constant 0 : i32
    %dma_start3A_60 = arith.constant 0 : i32
    %dma_start3A_61 = tpu.memref_slice %arg3[%dma_start3A_59, %dma_start3A_60] : memref<200000x64xf32, #tpu.memory_space<hbm>> -> memref<200000x64xf32, #tpu.memory_space<hbm>>
    tpu.enqueue_indirect_dma source(%dma_start3A_61 : memref<200000x64xf32, #tpu.memory_space<hbm>>) target(%dma_start3A_55 : memref<50x64xf32, #tpu.memory_space<vmem>>) offsets(%dma_start3A_58 : memref<50xi32, #tpu.memory_space<vmem>>) semaphore(%arg11 : memref<!tpu.dma_semaphore, #tpu.memory_space<semaphore_mem>>)
    %dma_start3A_62 = arith.constant 5 : i32
    %dma_start3A_63 = arith.constant 5 : i32
    %dma_start3A_64 = arith.constant 0 : i32
    %dma_start3A_65 = arith.constant 0 : i32
    %dma_start3A_66 = tpu.memref_slice %arg6[%dma_start3A_63, %dma_start3A_64, %dma_start3A_65] : memref<8x50x64xf32, #tpu.memory_space<vmem>> -> memref<1x50x64xf32, #tpu.memory_space<vmem>>
    %dma_start3A_67 = tpu.memref_squeeze %dma_start3A_66 : memref<1x50x64xf32, #tpu.memory_space<vmem>> -> memref<50x64xf32, #tpu.memory_space<vmem>>
    %dma_start3A_68 = arith.constant 0 : i32
    %dma_start3A_69 = tpu.memref_slice %arg5[%dma_start3A_62, %dma_start3A_68] : memref<128x50xi32, #tpu.memory_space<vmem>> -> memref<1x50xi32, #tpu.memory_space<vmem>>
    %dma_start3A_70 = tpu.memref_squeeze %dma_start3A_69 : memref<1x50xi32, #tpu.memory_space<vmem>> -> memref<50xi32, #tpu.memory_space<vmem>>
    %dma_start3A_71 = arith.constant 0 : i32
    %dma_start3A_72 = arith.constant 0 : i32
    %dma_start3A_73 = tpu.memref_slice %arg3[%dma_start3A_71, %dma_start3A_72] : memref<200000x64xf32, #tpu.memory_space<hbm>> -> memref<200000x64xf32, #tpu.memory_space<hbm>>
    tpu.enqueue_indirect_dma source(%dma_start3A_73 : memref<200000x64xf32, #tpu.memory_space<hbm>>) target(%dma_start3A_67 : memref<50x64xf32, #tpu.memory_space<vmem>>) offsets(%dma_start3A_70 : memref<50xi32, #tpu.memory_space<vmem>>) semaphore(%arg12 : memref<!tpu.dma_semaphore, #tpu.memory_space<semaphore_mem>>)
    %dma_start3A_74 = arith.constant 6 : i32
    %dma_start3A_75 = arith.constant 6 : i32
    %dma_start3A_76 = arith.constant 0 : i32
    %dma_start3A_77 = arith.constant 0 : i32
    %dma_start3A_78 = tpu.memref_slice %arg6[%dma_start3A_75, %dma_start3A_76, %dma_start3A_77] : memref<8x50x64xf32, #tpu.memory_space<vmem>> -> memref<1x50x64xf32, #tpu.memory_space<vmem>>
    %dma_start3A_79 = tpu.memref_squeeze %dma_start3A_78 : memref<1x50x64xf32, #tpu.memory_space<vmem>> -> memref<50x64xf32, #tpu.memory_space<vmem>>
    %dma_start3A_80 = arith.constant 0 : i32
    %dma_start3A_81 = tpu.memref_slice %arg5[%dma_start3A_74, %dma_start3A_80] : memref<128x50xi32, #tpu.memory_space<vmem>> -> memref<1x50xi32, #tpu.memory_space<vmem>>
    %dma_start3A_82 = tpu.memref_squeeze %dma_start3A_81 : memref<1x50xi32, #tpu.memory_space<vmem>> -> memref<50xi32, #tpu.memory_space<vmem>>
    %dma_start3A_83 = arith.constant 0 : i32
    %dma_start3A_84 = arith.constant 0 : i32
    %dma_start3A_85 = tpu.memref_slice %arg3[%dma_start3A_83, %dma_start3A_84] : memref<200000x64xf32, #tpu.memory_space<hbm>> -> memref<200000x64xf32, #tpu.memory_space<hbm>>
    tpu.enqueue_indirect_dma source(%dma_start3A_85 : memref<200000x64xf32, #tpu.memory_space<hbm>>) target(%dma_start3A_79 : memref<50x64xf32, #tpu.memory_space<vmem>>) offsets(%dma_start3A_82 : memref<50xi32, #tpu.memory_space<vmem>>) semaphore(%arg13 : memref<!tpu.dma_semaphore, #tpu.memory_space<semaphore_mem>>)
    %scan3A = arith.constant 0 : i32
    %scan3A_86 = arith.constant 0 : i32
    %scan3A_87 = arith.constant 16 : i32
    %scan3A_88 = arith.addi %scan3A_86, %scan3A_87 : i32
    %scan3A_89 = arith.constant 1 : i32
    scf.for %scan3A_226 = %scan3A_86 to %scan3A_88 step %scan3A_89  : i32 {
      %mul3A_227 = arith.constant 8 : i32
      %mul3A_228 = arith.muli %scan3A_226, %mul3A_227 : i32
      %add3A_229 = arith.constant 0 : i32
      %add3A_230 = arith.addi %mul3A_228, %add3A_229 : i32
      %dma_wait3A_231 = arith.constant 0 : i32
      %dma_wait3A_232 = arith.constant 0 : i32
      %dma_wait3A_233 = arith.constant 0 : i32
      %dma_wait3A_234 = arith.constant 0 : i32
      %dma_wait3A_235 = tpu.memref_slice %arg6[%dma_wait3A_232, %dma_wait3A_233, %dma_wait3A_234] : memref<8x50x64xf32, #tpu.memory_space<vmem>> -> memref<1x50x64xf32, #tpu.memory_space<vmem>>
      %dma_wait3A_236 = tpu.memref_squeeze %dma_wait3A_235 : memref<1x50x64xf32, #tpu.memory_space<vmem>> -> memref<50x64xf32, #tpu.memory_space<vmem>>
      %dma_wait3A_237 = arith.constant 0 : i32
      %dma_wait3A_238 = tpu.memref_slice %arg5[%dma_wait3A_231, %dma_wait3A_237] : memref<128x50xi32, #tpu.memory_space<vmem>> -> memref<1x50xi32, #tpu.memory_space<vmem>>
      %dma_wait3A_239 = tpu.memref_squeeze %dma_wait3A_238 : memref<1x50xi32, #tpu.memory_space<vmem>> -> memref<50xi32, #tpu.memory_space<vmem>>
      %dma_wait3A_240 = arith.constant 0 : i32
      %dma_wait3A_241 = arith.constant 0 : i32
      %dma_wait3A_242 = tpu.memref_slice %arg3[%dma_wait3A_240, %dma_wait3A_241] : memref<200000x64xf32, #tpu.memory_space<hbm>> -> memref<200000x64xf32, #tpu.memory_space<hbm>>
      tpu.wait_indirect_dma semaphore(%arg7 : memref<!tpu.dma_semaphore, #tpu.memory_space<semaphore_mem>>) src(%dma_wait3A_242 : memref<200000x64xf32, #tpu.memory_space<hbm>>) dst(%dma_wait3A_236 : memref<50x64xf32, #tpu.memory_space<vmem>>)
      %add3A_243 = arith.addi %mul3A_2, %add3A_230 : i32
      %dma_start3A_244 = arith.constant 0 : i32
      %dma_start3A_245 = arith.constant 0 : i32
      %dma_start3A_246 = arith.constant 0 : i32
      %dma_start3A_247 = tpu.memref_slice %arg6[%dma_start3A_244, %dma_start3A_245, %dma_start3A_246] : memref<8x50x64xf32, #tpu.memory_space<vmem>> -> memref<1x50x64xf32, #tpu.memory_space<vmem>>
      %dma_start3A_248 = tpu.memref_squeeze %dma_start3A_247 : memref<1x50x64xf32, #tpu.memory_space<vmem>> -> memref<50x64xf32, #tpu.memory_space<vmem>>
      %dma_start3A_249 = arith.constant 0 : i32
      %dma_start3A_250 = arith.constant 0 : i32
      %dma_start3A_251 = tpu.memref_slice %arg4[%add3A_243, %dma_start3A_249, %dma_start3A_250] : memref<4096x56x128xf32, #tpu.memory_space<hbm>> -> memref<1x50x64xf32, #tpu.memory_space<hbm>>
      %dma_start3A_252 = tpu.memref_squeeze %dma_start3A_251 : memref<1x50x64xf32, #tpu.memory_space<hbm>> -> memref<50x64xf32, #tpu.memory_space<hbm>>
      %dma_start3A_253 = arith.constant 0 : i32
      %dma_start3A_254 = arith.constant 0 : i32
      %dma_start3A_255 = tpu.memref_slice %arg4[%add3A_243, %dma_start3A_253, %dma_start3A_254] : memref<4096x56x128xf32, #tpu.memory_space<hbm>> -> memref<1x50x64xf32, #tpu.memory_space<hbm>>
      %dma_start3A_256 = tpu.memref_squeeze %dma_start3A_255 : memref<1x50x64xf32, #tpu.memory_space<hbm>> -> memref<50x64xf32, #tpu.memory_space<hbm>>
      %dma_start3A_257 = arith.constant 0 : i32
      %dma_start3A_258 = arith.constant 0 : i32
      %dma_start3A_259 = tpu.memref_slice %arg6[%dma_start3A_244, %dma_start3A_257, %dma_start3A_258] : memref<8x50x64xf32, #tpu.memory_space<vmem>> -> memref<1x50x64xf32, #tpu.memory_space<vmem>>
      %dma_start3A_260 = tpu.memref_squeeze %dma_start3A_259 : memref<1x50x64xf32, #tpu.memory_space<vmem>> -> memref<50x64xf32, #tpu.memory_space<vmem>>
      tpu.enqueue_dma source(%dma_start3A_260 : memref<50x64xf32, #tpu.memory_space<vmem>>) target(%dma_start3A_256 : memref<50x64xf32, #tpu.memory_space<hbm>>) target_semaphore(%arg15 : memref<!tpu.dma_semaphore, #tpu.memory_space<semaphore_mem>>)
      %add3A_261 = arith.constant 7 : i32
      %add3A_262 = arith.addi %add3A_230, %add3A_261 : i32
      %lt3A = arith.constant 128 : i32
      %lt3A_263 = arith.cmpi slt, %add3A_262, %lt3A : i32
      %add3A_264 = arith.constant 7 : i32
      %add3A_265 = arith.addi %add3A_230, %add3A_264 : i32
      %ge3A = arith.constant 8 : i32
      %ge3A_266 = arith.cmpi sge, %add3A_265, %ge3A : i32
      %and3A = arith.andi %lt3A_263, %ge3A_266 : i1
      %convert_element_type3A = arith.extui %and3A : i1 to i32
      %cond3A = arith.constant 0 : i32
      %cond3A_267 = arith.cmpi ne, %convert_element_type3A, %cond3A : i32
      scf.if %cond3A_267 {
        %dma_wait3A_646 = arith.constant 7 : i32
        %dma_wait3A_647 = arith.constant 0 : i32
        %dma_wait3A_648 = arith.constant 0 : i32
        %dma_wait3A_649 = tpu.memref_slice %arg6[%dma_wait3A_646, %dma_wait3A_647, %dma_wait3A_648] : memref<8x50x64xf32, #tpu.memory_space<vmem>> -> memref<1x50x64xf32, #tpu.memory_space<vmem>>
        %dma_wait3A_650 = tpu.memref_squeeze %dma_wait3A_649 : memref<1x50x64xf32, #tpu.memory_space<vmem>> -> memref<50x64xf32, #tpu.memory_space<vmem>>
        %dma_wait3A_651 = arith.constant 0 : i32
        %dma_wait3A_652 = arith.constant 0 : i32
        %dma_wait3A_653 = tpu.memref_slice %arg4[%mul3A_2, %dma_wait3A_651, %dma_wait3A_652] : memref<4096x56x128xf32, #tpu.memory_space<hbm>> -> memref<1x50x64xf32, #tpu.memory_space<hbm>>
        %dma_wait3A_654 = tpu.memref_squeeze %dma_wait3A_653 : memref<1x50x64xf32, #tpu.memory_space<hbm>> -> memref<50x64xf32, #tpu.memory_space<hbm>>
        %dma_wait3A_655 = arith.constant 0 : i32
        %dma_wait3A_656 = arith.constant 0 : i32
        %dma_wait3A_657 = tpu.memref_slice %arg4[%mul3A_2, %dma_wait3A_655, %dma_wait3A_656] : memref<4096x56x128xf32, #tpu.memory_space<hbm>> -> memref<1x50x64xf32, #tpu.memory_space<hbm>>
        %dma_wait3A_658 = tpu.memref_squeeze %dma_wait3A_657 : memref<1x50x64xf32, #tpu.memory_space<hbm>> -> memref<50x64xf32, #tpu.memory_space<hbm>>
        %dma_wait3A_659 = arith.constant 0 : i32
        %dma_wait3A_660 = arith.constant 0 : i32
        %dma_wait3A_661 = tpu.memref_slice %arg6[%dma_wait3A_646, %dma_wait3A_659, %dma_wait3A_660] : memref<8x50x64xf32, #tpu.memory_space<vmem>> -> memref<1x50x64xf32, #tpu.memory_space<vmem>>
        %dma_wait3A_662 = tpu.memref_squeeze %dma_wait3A_661 : memref<1x50x64xf32, #tpu.memory_space<vmem>> -> memref<50x64xf32, #tpu.memory_space<vmem>>
        tpu.wait_dma2 semaphore(%arg22 : memref<!tpu.dma_semaphore, #tpu.memory_space<semaphore_mem>>) src(%dma_wait3A_662 : memref<50x64xf32, #tpu.memory_space<vmem>>) dst(%dma_wait3A_658 : memref<50x64xf32, #tpu.memory_space<hbm>>)
      } else {
      }
      %add3A_268 = arith.constant 7 : i32
      %add3A_269 = arith.addi %add3A_230, %add3A_268 : i32
      %lt3A_270 = arith.constant 128 : i32
      %lt3A_271 = arith.cmpi slt, %add3A_269, %lt3A_270 : i32
      %convert_element_type3A_272 = arith.extui %lt3A_271 : i1 to i32
      %cond3A_273 = arith.constant 0 : i32
      %cond3A_274 = arith.cmpi ne, %convert_element_type3A_272, %cond3A_273 : i32
      scf.if %cond3A_274 {
        %add3A_646 = arith.constant 7 : i32
        %add3A_647 = arith.addi %add3A_230, %add3A_646 : i32
        %dma_start3A_648 = arith.constant 7 : i32
        %dma_start3A_649 = arith.constant 0 : i32
        %dma_start3A_650 = arith.constant 0 : i32
        %dma_start3A_651 = tpu.memref_slice %arg6[%dma_start3A_648, %dma_start3A_649, %dma_start3A_650] : memref<8x50x64xf32, #tpu.memory_space<vmem>> -> memref<1x50x64xf32, #tpu.memory_space<vmem>>
        %dma_start3A_652 = tpu.memref_squeeze %dma_start3A_651 : memref<1x50x64xf32, #tpu.memory_space<vmem>> -> memref<50x64xf32, #tpu.memory_space<vmem>>
        %dma_start3A_653 = arith.constant 0 : i32
        %dma_start3A_654 = tpu.memref_slice %arg5[%add3A_647, %dma_start3A_653] : memref<128x50xi32, #tpu.memory_space<vmem>> -> memref<1x50xi32, #tpu.memory_space<vmem>>
        %dma_start3A_655 = tpu.memref_squeeze %dma_start3A_654 : memref<1x50xi32, #tpu.memory_space<vmem>> -> memref<50xi32, #tpu.memory_space<vmem>>
        %dma_start3A_656 = arith.constant 0 : i32
        %dma_start3A_657 = arith.constant 0 : i32
        %dma_start3A_658 = tpu.memref_slice %arg3[%dma_start3A_656, %dma_start3A_657] : memref<200000x64xf32, #tpu.memory_space<hbm>> -> memref<200000x64xf32, #tpu.memory_space<hbm>>
        tpu.enqueue_indirect_dma source(%dma_start3A_658 : memref<200000x64xf32, #tpu.memory_space<hbm>>) target(%dma_start3A_652 : memref<50x64xf32, #tpu.memory_space<vmem>>) offsets(%dma_start3A_655 : memref<50xi32, #tpu.memory_space<vmem>>) semaphore(%arg14 : memref<!tpu.dma_semaphore, #tpu.memory_space<semaphore_mem>>)
      } else {
      }
      %mul3A_275 = arith.constant 8 : i32
      %mul3A_276 = arith.muli %scan3A_226, %mul3A_275 : i32
      %add3A_277 = arith.constant 1 : i32
      %add3A_278 = arith.addi %mul3A_276, %add3A_277 : i32
      %dma_wait3A_279 = arith.constant 1 : i32
      %dma_wait3A_280 = arith.constant 1 : i32
      %dma_wait3A_281 = arith.constant 0 : i32
      %dma_wait3A_282 = arith.constant 0 : i32
      %dma_wait3A_283 = tpu.memref_slice %arg6[%dma_wait3A_280, %dma_wait3A_281, %dma_wait3A_282] : memref<8x50x64xf32, #tpu.memory_space<vmem>> -> memref<1x50x64xf32, #tpu.memory_space<vmem>>
      %dma_wait3A_284 = tpu.memref_squeeze %dma_wait3A_283 : memref<1x50x64xf32, #tpu.memory_space<vmem>> -> memref<50x64xf32, #tpu.memory_space<vmem>>
      %dma_wait3A_285 = arith.constant 0 : i32
      %dma_wait3A_286 = tpu.memref_slice %arg5[%dma_wait3A_279, %dma_wait3A_285] : memref<128x50xi32, #tpu.memory_space<vmem>> -> memref<1x50xi32, #tpu.memory_space<vmem>>
      %dma_wait3A_287 = tpu.memref_squeeze %dma_wait3A_286 : memref<1x50xi32, #tpu.memory_space<vmem>> -> memref<50xi32, #tpu.memory_space<vmem>>
      %dma_wait3A_288 = arith.constant 0 : i32
      %dma_wait3A_289 = arith.constant 0 : i32
      %dma_wait3A_290 = tpu.memref_slice %arg3[%dma_wait3A_288, %dma_wait3A_289] : memref<200000x64xf32, #tpu.memory_space<hbm>> -> memref<200000x64xf32, #tpu.memory_space<hbm>>
      tpu.wait_indirect_dma semaphore(%arg8 : memref<!tpu.dma_semaphore, #tpu.memory_space<semaphore_mem>>) src(%dma_wait3A_290 : memref<200000x64xf32, #tpu.memory_space<hbm>>) dst(%dma_wait3A_284 : memref<50x64xf32, #tpu.memory_space<vmem>>)
      %add3A_291 = arith.addi %mul3A_2, %add3A_278 : i32
      %dma_start3A_292 = arith.constant 1 : i32
      %dma_start3A_293 = arith.constant 0 : i32
      %dma_start3A_294 = arith.constant 0 : i32
      %dma_start3A_295 = tpu.memref_slice %arg6[%dma_start3A_292, %dma_start3A_293, %dma_start3A_294] : memref<8x50x64xf32, #tpu.memory_space<vmem>> -> memref<1x50x64xf32, #tpu.memory_space<vmem>>
      %dma_start3A_296 = tpu.memref_squeeze %dma_start3A_295 : memref<1x50x64xf32, #tpu.memory_space<vmem>> -> memref<50x64xf32, #tpu.memory_space<vmem>>
      %dma_start3A_297 = arith.constant 0 : i32
      %dma_start3A_298 = arith.constant 0 : i32
      %dma_start3A_299 = tpu.memref_slice %arg4[%add3A_291, %dma_start3A_297, %dma_start3A_298] : memref<4096x56x128xf32, #tpu.memory_space<hbm>> -> memref<1x50x64xf32, #tpu.memory_space<hbm>>
      %dma_start3A_300 = tpu.memref_squeeze %dma_start3A_299 : memref<1x50x64xf32, #tpu.memory_space<hbm>> -> memref<50x64xf32, #tpu.memory_space<hbm>>
      %dma_start3A_301 = arith.constant 0 : i32
      %dma_start3A_302 = arith.constant 0 : i32
      %dma_start3A_303 = tpu.memref_slice %arg4[%add3A_291, %dma_start3A_301, %dma_start3A_302] : memref<4096x56x128xf32, #tpu.memory_space<hbm>> -> memref<1x50x64xf32, #tpu.memory_space<hbm>>
      %dma_start3A_304 = tpu.memref_squeeze %dma_start3A_303 : memref<1x50x64xf32, #tpu.memory_space<hbm>> -> memref<50x64xf32, #tpu.memory_space<hbm>>
      %dma_start3A_305 = arith.constant 0 : i32
      %dma_start3A_306 = arith.constant 0 : i32
      %dma_start3A_307 = tpu.memref_slice %arg6[%dma_start3A_292, %dma_start3A_305, %dma_start3A_306] : memref<8x50x64xf32, #tpu.memory_space<vmem>> -> memref<1x50x64xf32, #tpu.memory_space<vmem>>
      %dma_start3A_308 = tpu.memref_squeeze %dma_start3A_307 : memref<1x50x64xf32, #tpu.memory_space<vmem>> -> memref<50x64xf32, #tpu.memory_space<vmem>>
      tpu.enqueue_dma source(%dma_start3A_308 : memref<50x64xf32, #tpu.memory_space<vmem>>) target(%dma_start3A_304 : memref<50x64xf32, #tpu.memory_space<hbm>>) target_semaphore(%arg16 : memref<!tpu.dma_semaphore, #tpu.memory_space<semaphore_mem>>)
      %add3A_309 = arith.constant 7 : i32
      %add3A_310 = arith.addi %add3A_278, %add3A_309 : i32
      %lt3A_311 = arith.constant 128 : i32
      %lt3A_312 = arith.cmpi slt, %add3A_310, %lt3A_311 : i32
      %add3A_313 = arith.constant 7 : i32
      %add3A_314 = arith.addi %add3A_278, %add3A_313 : i32
      %ge3A_315 = arith.constant 8 : i32
      %ge3A_316 = arith.cmpi sge, %add3A_314, %ge3A_315 : i32
      %and3A_317 = arith.andi %lt3A_312, %ge3A_316 : i1
      %convert_element_type3A_318 = arith.extui %and3A_317 : i1 to i32
      %cond3A_319 = arith.constant 0 : i32
      %cond3A_320 = arith.cmpi ne, %convert_element_type3A_318, %cond3A_319 : i32
      scf.if %cond3A_320 {
        %dma_wait3A_646 = arith.constant 0 : i32
        %dma_wait3A_647 = arith.constant 0 : i32
        %dma_wait3A_648 = arith.constant 0 : i32
        %dma_wait3A_649 = tpu.memref_slice %arg6[%dma_wait3A_646, %dma_wait3A_647, %dma_wait3A_648] : memref<8x50x64xf32, #tpu.memory_space<vmem>> -> memref<1x50x64xf32, #tpu.memory_space<vmem>>
        %dma_wait3A_650 = tpu.memref_squeeze %dma_wait3A_649 : memref<1x50x64xf32, #tpu.memory_space<vmem>> -> memref<50x64xf32, #tpu.memory_space<vmem>>
        %dma_wait3A_651 = arith.constant 0 : i32
        %dma_wait3A_652 = arith.constant 0 : i32
        %dma_wait3A_653 = tpu.memref_slice %arg4[%mul3A_2, %dma_wait3A_651, %dma_wait3A_652] : memref<4096x56x128xf32, #tpu.memory_space<hbm>> -> memref<1x50x64xf32, #tpu.memory_space<hbm>>
        %dma_wait3A_654 = tpu.memref_squeeze %dma_wait3A_653 : memref<1x50x64xf32, #tpu.memory_space<hbm>> -> memref<50x64xf32, #tpu.memory_space<hbm>>
        %dma_wait3A_655 = arith.constant 0 : i32
        %dma_wait3A_656 = arith.constant 0 : i32
        %dma_wait3A_657 = tpu.memref_slice %arg4[%mul3A_2, %dma_wait3A_655, %dma_wait3A_656] : memref<4096x56x128xf32, #tpu.memory_space<hbm>> -> memref<1x50x64xf32, #tpu.memory_space<hbm>>
        %dma_wait3A_658 = tpu.memref_squeeze %dma_wait3A_657 : memref<1x50x64xf32, #tpu.memory_space<hbm>> -> memref<50x64xf32, #tpu.memory_space<hbm>>
        %dma_wait3A_659 = arith.constant 0 : i32
        %dma_wait3A_660 = arith.constant 0 : i32
        %dma_wait3A_661 = tpu.memref_slice %arg6[%dma_wait3A_646, %dma_wait3A_659, %dma_wait3A_660] : memref<8x50x64xf32, #tpu.memory_space<vmem>> -> memref<1x50x64xf32, #tpu.memory_space<vmem>>
        %dma_wait3A_662 = tpu.memref_squeeze %dma_wait3A_661 : memref<1x50x64xf32, #tpu.memory_space<vmem>> -> memref<50x64xf32, #tpu.memory_space<vmem>>
        tpu.wait_dma2 semaphore(%arg15 : memref<!tpu.dma_semaphore, #tpu.memory_space<semaphore_mem>>) src(%dma_wait3A_662 : memref<50x64xf32, #tpu.memory_space<vmem>>) dst(%dma_wait3A_658 : memref<50x64xf32, #tpu.memory_space<hbm>>)
      } else {
      }
      %add3A_321 = arith.constant 7 : i32
      %add3A_322 = arith.addi %add3A_278, %add3A_321 : i32
      %lt3A_323 = arith.constant 128 : i32
      %lt3A_324 = arith.cmpi slt, %add3A_322, %lt3A_323 : i32
      %convert_element_type3A_325 = arith.extui %lt3A_324 : i1 to i32
      %cond3A_326 = arith.constant 0 : i32
      %cond3A_327 = arith.cmpi ne, %convert_element_type3A_325, %cond3A_326 : i32
      scf.if %cond3A_327 {
        %add3A_646 = arith.constant 7 : i32
        %add3A_647 = arith.addi %add3A_278, %add3A_646 : i32
        %dma_start3A_648 = arith.constant 0 : i32
        %dma_start3A_649 = arith.constant 0 : i32
        %dma_start3A_650 = arith.constant 0 : i32
        %dma_start3A_651 = tpu.memref_slice %arg6[%dma_start3A_648, %dma_start3A_649, %dma_start3A_650] : memref<8x50x64xf32, #tpu.memory_space<vmem>> -> memref<1x50x64xf32, #tpu.memory_space<vmem>>
        %dma_start3A_652 = tpu.memref_squeeze %dma_start3A_651 : memref<1x50x64xf32, #tpu.memory_space<vmem>> -> memref<50x64xf32, #tpu.memory_space<vmem>>
        %dma_start3A_653 = arith.constant 0 : i32
        %dma_start3A_654 = tpu.memref_slice %arg5[%add3A_647, %dma_start3A_653] : memref<128x50xi32, #tpu.memory_space<vmem>> -> memref<1x50xi32, #tpu.memory_space<vmem>>
        %dma_start3A_655 = tpu.memref_squeeze %dma_start3A_654 : memref<1x50xi32, #tpu.memory_space<vmem>> -> memref<50xi32, #tpu.memory_space<vmem>>
        %dma_start3A_656 = arith.constant 0 : i32
        %dma_start3A_657 = arith.constant 0 : i32
        %dma_start3A_658 = tpu.memref_slice %arg3[%dma_start3A_656, %dma_start3A_657] : memref<200000x64xf32, #tpu.memory_space<hbm>> -> memref<200000x64xf32, #tpu.memory_space<hbm>>
        tpu.enqueue_indirect_dma source(%dma_start3A_658 : memref<200000x64xf32, #tpu.memory_space<hbm>>) target(%dma_start3A_652 : memref<50x64xf32, #tpu.memory_space<vmem>>) offsets(%dma_start3A_655 : memref<50xi32, #tpu.memory_space<vmem>>) semaphore(%arg7 : memref<!tpu.dma_semaphore, #tpu.memory_space<semaphore_mem>>)
      } else {
      }
      %mul3A_328 = arith.constant 8 : i32
      %mul3A_329 = arith.muli %scan3A_226, %mul3A_328 : i32
      %add3A_330 = arith.constant 2 : i32
      %add3A_331 = arith.addi %mul3A_329, %add3A_330 : i32
      %dma_wait3A_332 = arith.constant 2 : i32
      %dma_wait3A_333 = arith.constant 2 : i32
      %dma_wait3A_334 = arith.constant 0 : i32
      %dma_wait3A_335 = arith.constant 0 : i32
      %dma_wait3A_336 = tpu.memref_slice %arg6[%dma_wait3A_333, %dma_wait3A_334, %dma_wait3A_335] : memref<8x50x64xf32, #tpu.memory_space<vmem>> -> memref<1x50x64xf32, #tpu.memory_space<vmem>>
      %dma_wait3A_337 = tpu.memref_squeeze %dma_wait3A_336 : memref<1x50x64xf32, #tpu.memory_space<vmem>> -> memref<50x64xf32, #tpu.memory_space<vmem>>
      %dma_wait3A_338 = arith.constant 0 : i32
      %dma_wait3A_339 = tpu.memref_slice %arg5[%dma_wait3A_332, %dma_wait3A_338] : memref<128x50xi32, #tpu.memory_space<vmem>> -> memref<1x50xi32, #tpu.memory_space<vmem>>
      %dma_wait3A_340 = tpu.memref_squeeze %dma_wait3A_339 : memref<1x50xi32, #tpu.memory_space<vmem>> -> memref<50xi32, #tpu.memory_space<vmem>>
      %dma_wait3A_341 = arith.constant 0 : i32
      %dma_wait3A_342 = arith.constant 0 : i32
      %dma_wait3A_343 = tpu.memref_slice %arg3[%dma_wait3A_341, %dma_wait3A_342] : memref<200000x64xf32, #tpu.memory_space<hbm>> -> memref<200000x64xf32, #tpu.memory_space<hbm>>
      tpu.wait_indirect_dma semaphore(%arg9 : memref<!tpu.dma_semaphore, #tpu.memory_space<semaphore_mem>>) src(%dma_wait3A_343 : memref<200000x64xf32, #tpu.memory_space<hbm>>) dst(%dma_wait3A_337 : memref<50x64xf32, #tpu.memory_space<vmem>>)
      %add3A_344 = arith.addi %mul3A_2, %add3A_331 : i32
      %dma_start3A_345 = arith.constant 2 : i32
      %dma_start3A_346 = arith.constant 0 : i32
      %dma_start3A_347 = arith.constant 0 : i32
      %dma_start3A_348 = tpu.memref_slice %arg6[%dma_start3A_345, %dma_start3A_346, %dma_start3A_347] : memref<8x50x64xf32, #tpu.memory_space<vmem>> -> memref<1x50x64xf32, #tpu.memory_space<vmem>>
      %dma_start3A_349 = tpu.memref_squeeze %dma_start3A_348 : memref<1x50x64xf32, #tpu.memory_space<vmem>> -> memref<50x64xf32, #tpu.memory_space<vmem>>
      %dma_start3A_350 = arith.constant 0 : i32
      %dma_start3A_351 = arith.constant 0 : i32
      %dma_start3A_352 = tpu.memref_slice %arg4[%add3A_344, %dma_start3A_350, %dma_start3A_351] : memref<4096x56x128xf32, #tpu.memory_space<hbm>> -> memref<1x50x64xf32, #tpu.memory_space<hbm>>
      %dma_start3A_353 = tpu.memref_squeeze %dma_start3A_352 : memref<1x50x64xf32, #tpu.memory_space<hbm>> -> memref<50x64xf32, #tpu.memory_space<hbm>>
      %dma_start3A_354 = arith.constant 0 : i32
      %dma_start3A_355 = arith.constant 0 : i32
      %dma_start3A_356 = tpu.memref_slice %arg4[%add3A_344, %dma_start3A_354, %dma_start3A_355] : memref<4096x56x128xf32, #tpu.memory_space<hbm>> -> memref<1x50x64xf32, #tpu.memory_space<hbm>>
      %dma_start3A_357 = tpu.memref_squeeze %dma_start3A_356 : memref<1x50x64xf32, #tpu.memory_space<hbm>> -> memref<50x64xf32, #tpu.memory_space<hbm>>
      %dma_start3A_358 = arith.constant 0 : i32
      %dma_start3A_359 = arith.constant 0 : i32
      %dma_start3A_360 = tpu.memref_slice %arg6[%dma_start3A_345, %dma_start3A_358, %dma_start3A_359] : memref<8x50x64xf32, #tpu.memory_space<vmem>> -> memref<1x50x64xf32, #tpu.memory_space<vmem>>
      %dma_start3A_361 = tpu.memref_squeeze %dma_start3A_360 : memref<1x50x64xf32, #tpu.memory_space<vmem>> -> memref<50x64xf32, #tpu.memory_space<vmem>>
      tpu.enqueue_dma source(%dma_start3A_361 : memref<50x64xf32, #tpu.memory_space<vmem>>) target(%dma_start3A_357 : memref<50x64xf32, #tpu.memory_space<hbm>>) target_semaphore(%arg17 : memref<!tpu.dma_semaphore, #tpu.memory_space<semaphore_mem>>)
      %add3A_362 = arith.constant 7 : i32
      %add3A_363 = arith.addi %add3A_331, %add3A_362 : i32
      %lt3A_364 = arith.constant 128 : i32
      %lt3A_365 = arith.cmpi slt, %add3A_363, %lt3A_364 : i32
      %add3A_366 = arith.constant 7 : i32
      %add3A_367 = arith.addi %add3A_331, %add3A_366 : i32
      %ge3A_368 = arith.constant 8 : i32
      %ge3A_369 = arith.cmpi sge, %add3A_367, %ge3A_368 : i32
      %and3A_370 = arith.andi %lt3A_365, %ge3A_369 : i1
      %convert_element_type3A_371 = arith.extui %and3A_370 : i1 to i32
      %cond3A_372 = arith.constant 0 : i32
      %cond3A_373 = arith.cmpi ne, %convert_element_type3A_371, %cond3A_372 : i32
      scf.if %cond3A_373 {
        %dma_wait3A_646 = arith.constant 1 : i32
        %dma_wait3A_647 = arith.constant 0 : i32
        %dma_wait3A_648 = arith.constant 0 : i32
        %dma_wait3A_649 = tpu.memref_slice %arg6[%dma_wait3A_646, %dma_wait3A_647, %dma_wait3A_648] : memref<8x50x64xf32, #tpu.memory_space<vmem>> -> memref<1x50x64xf32, #tpu.memory_space<vmem>>
        %dma_wait3A_650 = tpu.memref_squeeze %dma_wait3A_649 : memref<1x50x64xf32, #tpu.memory_space<vmem>> -> memref<50x64xf32, #tpu.memory_space<vmem>>
        %dma_wait3A_651 = arith.constant 0 : i32
        %dma_wait3A_652 = arith.constant 0 : i32
        %dma_wait3A_653 = tpu.memref_slice %arg4[%mul3A_2, %dma_wait3A_651, %dma_wait3A_652] : memref<4096x56x128xf32, #tpu.memory_space<hbm>> -> memref<1x50x64xf32, #tpu.memory_space<hbm>>
        %dma_wait3A_654 = tpu.memref_squeeze %dma_wait3A_653 : memref<1x50x64xf32, #tpu.memory_space<hbm>> -> memref<50x64xf32, #tpu.memory_space<hbm>>
        %dma_wait3A_655 = arith.constant 0 : i32
        %dma_wait3A_656 = arith.constant 0 : i32
        %dma_wait3A_657 = tpu.memref_slice %arg4[%mul3A_2, %dma_wait3A_655, %dma_wait3A_656] : memref<4096x56x128xf32, #tpu.memory_space<hbm>> -> memref<1x50x64xf32, #tpu.memory_space<hbm>>
        %dma_wait3A_658 = tpu.memref_squeeze %dma_wait3A_657 : memref<1x50x64xf32, #tpu.memory_space<hbm>> -> memref<50x64xf32, #tpu.memory_space<hbm>>
        %dma_wait3A_659 = arith.constant 0 : i32
        %dma_wait3A_660 = arith.constant 0 : i32
        %dma_wait3A_661 = tpu.memref_slice %arg6[%dma_wait3A_646, %dma_wait3A_659, %dma_wait3A_660] : memref<8x50x64xf32, #tpu.memory_space<vmem>> -> memref<1x50x64xf32, #tpu.memory_space<vmem>>
        %dma_wait3A_662 = tpu.memref_squeeze %dma_wait3A_661 : memref<1x50x64xf32, #tpu.memory_space<vmem>> -> memref<50x64xf32, #tpu.memory_space<vmem>>
        tpu.wait_dma2 semaphore(%arg16 : memref<!tpu.dma_semaphore, #tpu.memory_space<semaphore_mem>>) src(%dma_wait3A_662 : memref<50x64xf32, #tpu.memory_space<vmem>>) dst(%dma_wait3A_658 : memref<50x64xf32, #tpu.memory_space<hbm>>)
      } else {
      }
      %add3A_374 = arith.constant 7 : i32
      %add3A_375 = arith.addi %add3A_331, %add3A_374 : i32
      %lt3A_376 = arith.constant 128 : i32
      %lt3A_377 = arith.cmpi slt, %add3A_375, %lt3A_376 : i32
      %convert_element_type3A_378 = arith.extui %lt3A_377 : i1 to i32
      %cond3A_379 = arith.constant 0 : i32
      %cond3A_380 = arith.cmpi ne, %convert_element_type3A_378, %cond3A_379 : i32
      scf.if %cond3A_380 {
        %add3A_646 = arith.constant 7 : i32
        %add3A_647 = arith.addi %add3A_331, %add3A_646 : i32
        %dma_start3A_648 = arith.constant 1 : i32
        %dma_start3A_649 = arith.constant 0 : i32
        %dma_start3A_650 = arith.constant 0 : i32
        %dma_start3A_651 = tpu.memref_slice %arg6[%dma_start3A_648, %dma_start3A_649, %dma_start3A_650] : memref<8x50x64xf32, #tpu.memory_space<vmem>> -> memref<1x50x64xf32, #tpu.memory_space<vmem>>
        %dma_start3A_652 = tpu.memref_squeeze %dma_start3A_651 : memref<1x50x64xf32, #tpu.memory_space<vmem>> -> memref<50x64xf32, #tpu.memory_space<vmem>>
        %dma_start3A_653 = arith.constant 0 : i32
        %dma_start3A_654 = tpu.memref_slice %arg5[%add3A_647, %dma_start3A_653] : memref<128x50xi32, #tpu.memory_space<vmem>> -> memref<1x50xi32, #tpu.memory_space<vmem>>
        %dma_start3A_655 = tpu.memref_squeeze %dma_start3A_654 : memref<1x50xi32, #tpu.memory_space<vmem>> -> memref<50xi32, #tpu.memory_space<vmem>>
        %dma_start3A_656 = arith.constant 0 : i32
        %dma_start3A_657 = arith.constant 0 : i32
        %dma_start3A_658 = tpu.memref_slice %arg3[%dma_start3A_656, %dma_start3A_657] : memref<200000x64xf32, #tpu.memory_space<hbm>> -> memref<200000x64xf32, #tpu.memory_space<hbm>>
        tpu.enqueue_indirect_dma source(%dma_start3A_658 : memref<200000x64xf32, #tpu.memory_space<hbm>>) target(%dma_start3A_652 : memref<50x64xf32, #tpu.memory_space<vmem>>) offsets(%dma_start3A_655 : memref<50xi32, #tpu.memory_space<vmem>>) semaphore(%arg8 : memref<!tpu.dma_semaphore, #tpu.memory_space<semaphore_mem>>)
      } else {
      }
      %mul3A_381 = arith.constant 8 : i32
      %mul3A_382 = arith.muli %scan3A_226, %mul3A_381 : i32
      %add3A_383 = arith.constant 3 : i32
      %add3A_384 = arith.addi %mul3A_382, %add3A_383 : i32
      %dma_wait3A_385 = arith.constant 3 : i32
      %dma_wait3A_386 = arith.constant 3 : i32
      %dma_wait3A_387 = arith.constant 0 : i32
      %dma_wait3A_388 = arith.constant 0 : i32
      %dma_wait3A_389 = tpu.memref_slice %arg6[%dma_wait3A_386, %dma_wait3A_387, %dma_wait3A_388] : memref<8x50x64xf32, #tpu.memory_space<vmem>> -> memref<1x50x64xf32, #tpu.memory_space<vmem>>
      %dma_wait3A_390 = tpu.memref_squeeze %dma_wait3A_389 : memref<1x50x64xf32, #tpu.memory_space<vmem>> -> memref<50x64xf32, #tpu.memory_space<vmem>>
      %dma_wait3A_391 = arith.constant 0 : i32
      %dma_wait3A_392 = tpu.memref_slice %arg5[%dma_wait3A_385, %dma_wait3A_391] : memref<128x50xi32, #tpu.memory_space<vmem>> -> memref<1x50xi32, #tpu.memory_space<vmem>>
      %dma_wait3A_393 = tpu.memref_squeeze %dma_wait3A_392 : memref<1x50xi32, #tpu.memory_space<vmem>> -> memref<50xi32, #tpu.memory_space<vmem>>
      %dma_wait3A_394 = arith.constant 0 : i32
      %dma_wait3A_395 = arith.constant 0 : i32
      %dma_wait3A_396 = tpu.memref_slice %arg3[%dma_wait3A_394, %dma_wait3A_395] : memref<200000x64xf32, #tpu.memory_space<hbm>> -> memref<200000x64xf32, #tpu.memory_space<hbm>>
      tpu.wait_indirect_dma semaphore(%arg10 : memref<!tpu.dma_semaphore, #tpu.memory_space<semaphore_mem>>) src(%dma_wait3A_396 : memref<200000x64xf32, #tpu.memory_space<hbm>>) dst(%dma_wait3A_390 : memref<50x64xf32, #tpu.memory_space<vmem>>)
      %add3A_397 = arith.addi %mul3A_2, %add3A_384 : i32
      %dma_start3A_398 = arith.constant 3 : i32
      %dma_start3A_399 = arith.constant 0 : i32
      %dma_start3A_400 = arith.constant 0 : i32
      %dma_start3A_401 = tpu.memref_slice %arg6[%dma_start3A_398, %dma_start3A_399, %dma_start3A_400] : memref<8x50x64xf32, #tpu.memory_space<vmem>> -> memref<1x50x64xf32, #tpu.memory_space<vmem>>
      %dma_start3A_402 = tpu.memref_squeeze %dma_start3A_401 : memref<1x50x64xf32, #tpu.memory_space<vmem>> -> memref<50x64xf32, #tpu.memory_space<vmem>>
      %dma_start3A_403 = arith.constant 0 : i32
      %dma_start3A_404 = arith.constant 0 : i32
      %dma_start3A_405 = tpu.memref_slice %arg4[%add3A_397, %dma_start3A_403, %dma_start3A_404] : memref<4096x56x128xf32, #tpu.memory_space<hbm>> -> memref<1x50x64xf32, #tpu.memory_space<hbm>>
      %dma_start3A_406 = tpu.memref_squeeze %dma_start3A_405 : memref<1x50x64xf32, #tpu.memory_space<hbm>> -> memref<50x64xf32, #tpu.memory_space<hbm>>
      %dma_start3A_407 = arith.constant 0 : i32
      %dma_start3A_408 = arith.constant 0 : i32
      %dma_start3A_409 = tpu.memref_slice %arg4[%add3A_397, %dma_start3A_407, %dma_start3A_408] : memref<4096x56x128xf32, #tpu.memory_space<hbm>> -> memref<1x50x64xf32, #tpu.memory_space<hbm>>
      %dma_start3A_410 = tpu.memref_squeeze %dma_start3A_409 : memref<1x50x64xf32, #tpu.memory_space<hbm>> -> memref<50x64xf32, #tpu.memory_space<hbm>>
      %dma_start3A_411 = arith.constant 0 : i32
      %dma_start3A_412 = arith.constant 0 : i32
      %dma_start3A_413 = tpu.memref_slice %arg6[%dma_start3A_398, %dma_start3A_411, %dma_start3A_412] : memref<8x50x64xf32, #tpu.memory_space<vmem>> -> memref<1x50x64xf32, #tpu.memory_space<vmem>>
      %dma_start3A_414 = tpu.memref_squeeze %dma_start3A_413 : memref<1x50x64xf32, #tpu.memory_space<vmem>> -> memref<50x64xf32, #tpu.memory_space<vmem>>
      tpu.enqueue_dma source(%dma_start3A_414 : memref<50x64xf32, #tpu.memory_space<vmem>>) target(%dma_start3A_410 : memref<50x64xf32, #tpu.memory_space<hbm>>) target_semaphore(%arg18 : memref<!tpu.dma_semaphore, #tpu.memory_space<semaphore_mem>>)
      %add3A_415 = arith.constant 7 : i32
      %add3A_416 = arith.addi %add3A_384, %add3A_415 : i32
      %lt3A_417 = arith.constant 128 : i32
      %lt3A_418 = arith.cmpi slt, %add3A_416, %lt3A_417 : i32
      %add3A_419 = arith.constant 7 : i32
      %add3A_420 = arith.addi %add3A_384, %add3A_419 : i32
      %ge3A_421 = arith.constant 8 : i32
      %ge3A_422 = arith.cmpi sge, %add3A_420, %ge3A_421 : i32
      %and3A_423 = arith.andi %lt3A_418, %ge3A_422 : i1
      %convert_element_type3A_424 = arith.extui %and3A_423 : i1 to i32
      %cond3A_425 = arith.constant 0 : i32
      %cond3A_426 = arith.cmpi ne, %convert_element_type3A_424, %cond3A_425 : i32
      scf.if %cond3A_426 {
        %dma_wait3A_646 = arith.constant 2 : i32
        %dma_wait3A_647 = arith.constant 0 : i32
        %dma_wait3A_648 = arith.constant 0 : i32
        %dma_wait3A_649 = tpu.memref_slice %arg6[%dma_wait3A_646, %dma_wait3A_647, %dma_wait3A_648] : memref<8x50x64xf32, #tpu.memory_space<vmem>> -> memref<1x50x64xf32, #tpu.memory_space<vmem>>
        %dma_wait3A_650 = tpu.memref_squeeze %dma_wait3A_649 : memref<1x50x64xf32, #tpu.memory_space<vmem>> -> memref<50x64xf32, #tpu.memory_space<vmem>>
        %dma_wait3A_651 = arith.constant 0 : i32
        %dma_wait3A_652 = arith.constant 0 : i32
        %dma_wait3A_653 = tpu.memref_slice %arg4[%mul3A_2, %dma_wait3A_651, %dma_wait3A_652] : memref<4096x56x128xf32, #tpu.memory_space<hbm>> -> memref<1x50x64xf32, #tpu.memory_space<hbm>>
        %dma_wait3A_654 = tpu.memref_squeeze %dma_wait3A_653 : memref<1x50x64xf32, #tpu.memory_space<hbm>> -> memref<50x64xf32, #tpu.memory_space<hbm>>
        %dma_wait3A_655 = arith.constant 0 : i32
        %dma_wait3A_656 = arith.constant 0 : i32
        %dma_wait3A_657 = tpu.memref_slice %arg4[%mul3A_2, %dma_wait3A_655, %dma_wait3A_656] : memref<4096x56x128xf32, #tpu.memory_space<hbm>> -> memref<1x50x64xf32, #tpu.memory_space<hbm>>
        %dma_wait3A_658 = tpu.memref_squeeze %dma_wait3A_657 : memref<1x50x64xf32, #tpu.memory_space<hbm>> -> memref<50x64xf32, #tpu.memory_space<hbm>>
        %dma_wait3A_659 = arith.constant 0 : i32
        %dma_wait3A_660 = arith.constant 0 : i32
        %dma_wait3A_661 = tpu.memref_slice %arg6[%dma_wait3A_646, %dma_wait3A_659, %dma_wait3A_660] : memref<8x50x64xf32, #tpu.memory_space<vmem>> -> memref<1x50x64xf32, #tpu.memory_space<vmem>>
        %dma_wait3A_662 = tpu.memref_squeeze %dma_wait3A_661 : memref<1x50x64xf32, #tpu.memory_space<vmem>> -> memref<50x64xf32, #tpu.memory_space<vmem>>
        tpu.wait_dma2 semaphore(%arg17 : memref<!tpu.dma_semaphore, #tpu.memory_space<semaphore_mem>>) src(%dma_wait3A_662 : memref<50x64xf32, #tpu.memory_space<vmem>>) dst(%dma_wait3A_658 : memref<50x64xf32, #tpu.memory_space<hbm>>)
      } else {
      }
      %add3A_427 = arith.constant 7 : i32
      %add3A_428 = arith.addi %add3A_384, %add3A_427 : i32
      %lt3A_429 = arith.constant 128 : i32
      %lt3A_430 = arith.cmpi slt, %add3A_428, %lt3A_429 : i32
      %convert_element_type3A_431 = arith.extui %lt3A_430 : i1 to i32
      %cond3A_432 = arith.constant 0 : i32
      %cond3A_433 = arith.cmpi ne, %convert_element_type3A_431, %cond3A_432 : i32
      scf.if %cond3A_433 {
        %add3A_646 = arith.constant 7 : i32
        %add3A_647 = arith.addi %add3A_384, %add3A_646 : i32
        %dma_start3A_648 = arith.constant 2 : i32
        %dma_start3A_649 = arith.constant 0 : i32
        %dma_start3A_650 = arith.constant 0 : i32
        %dma_start3A_651 = tpu.memref_slice %arg6[%dma_start3A_648, %dma_start3A_649, %dma_start3A_650] : memref<8x50x64xf32, #tpu.memory_space<vmem>> -> memref<1x50x64xf32, #tpu.memory_space<vmem>>
        %dma_start3A_652 = tpu.memref_squeeze %dma_start3A_651 : memref<1x50x64xf32, #tpu.memory_space<vmem>> -> memref<50x64xf32, #tpu.memory_space<vmem>>
        %dma_start3A_653 = arith.constant 0 : i32
        %dma_start3A_654 = tpu.memref_slice %arg5[%add3A_647, %dma_start3A_653] : memref<128x50xi32, #tpu.memory_space<vmem>> -> memref<1x50xi32, #tpu.memory_space<vmem>>
        %dma_start3A_655 = tpu.memref_squeeze %dma_start3A_654 : memref<1x50xi32, #tpu.memory_space<vmem>> -> memref<50xi32, #tpu.memory_space<vmem>>
        %dma_start3A_656 = arith.constant 0 : i32
        %dma_start3A_657 = arith.constant 0 : i32
        %dma_start3A_658 = tpu.memref_slice %arg3[%dma_start3A_656, %dma_start3A_657] : memref<200000x64xf32, #tpu.memory_space<hbm>> -> memref<200000x64xf32, #tpu.memory_space<hbm>>
        tpu.enqueue_indirect_dma source(%dma_start3A_658 : memref<200000x64xf32, #tpu.memory_space<hbm>>) target(%dma_start3A_652 : memref<50x64xf32, #tpu.memory_space<vmem>>) offsets(%dma_start3A_655 : memref<50xi32, #tpu.memory_space<vmem>>) semaphore(%arg9 : memref<!tpu.dma_semaphore, #tpu.memory_space<semaphore_mem>>)
      } else {
      }
      %mul3A_434 = arith.constant 8 : i32
      %mul3A_435 = arith.muli %scan3A_226, %mul3A_434 : i32
      %add3A_436 = arith.constant 4 : i32
      %add3A_437 = arith.addi %mul3A_435, %add3A_436 : i32
      %dma_wait3A_438 = arith.constant 4 : i32
      %dma_wait3A_439 = arith.constant 4 : i32
      %dma_wait3A_440 = arith.constant 0 : i32
      %dma_wait3A_441 = arith.constant 0 : i32
      %dma_wait3A_442 = tpu.memref_slice %arg6[%dma_wait3A_439, %dma_wait3A_440, %dma_wait3A_441] : memref<8x50x64xf32, #tpu.memory_space<vmem>> -> memref<1x50x64xf32, #tpu.memory_space<vmem>>
      %dma_wait3A_443 = tpu.memref_squeeze %dma_wait3A_442 : memref<1x50x64xf32, #tpu.memory_space<vmem>> -> memref<50x64xf32, #tpu.memory_space<vmem>>
      %dma_wait3A_444 = arith.constant 0 : i32
      %dma_wait3A_445 = tpu.memref_slice %arg5[%dma_wait3A_438, %dma_wait3A_444] : memref<128x50xi32, #tpu.memory_space<vmem>> -> memref<1x50xi32, #tpu.memory_space<vmem>>
      %dma_wait3A_446 = tpu.memref_squeeze %dma_wait3A_445 : memref<1x50xi32, #tpu.memory_space<vmem>> -> memref<50xi32, #tpu.memory_space<vmem>>
      %dma_wait3A_447 = arith.constant 0 : i32
      %dma_wait3A_448 = arith.constant 0 : i32
      %dma_wait3A_449 = tpu.memref_slice %arg3[%dma_wait3A_447, %dma_wait3A_448] : memref<200000x64xf32, #tpu.memory_space<hbm>> -> memref<200000x64xf32, #tpu.memory_space<hbm>>
      tpu.wait_indirect_dma semaphore(%arg11 : memref<!tpu.dma_semaphore, #tpu.memory_space<semaphore_mem>>) src(%dma_wait3A_449 : memref<200000x64xf32, #tpu.memory_space<hbm>>) dst(%dma_wait3A_443 : memref<50x64xf32, #tpu.memory_space<vmem>>)
      %add3A_450 = arith.addi %mul3A_2, %add3A_437 : i32
      %dma_start3A_451 = arith.constant 4 : i32
      %dma_start3A_452 = arith.constant 0 : i32
      %dma_start3A_453 = arith.constant 0 : i32
      %dma_start3A_454 = tpu.memref_slice %arg6[%dma_start3A_451, %dma_start3A_452, %dma_start3A_453] : memref<8x50x64xf32, #tpu.memory_space<vmem>> -> memref<1x50x64xf32, #tpu.memory_space<vmem>>
      %dma_start3A_455 = tpu.memref_squeeze %dma_start3A_454 : memref<1x50x64xf32, #tpu.memory_space<vmem>> -> memref<50x64xf32, #tpu.memory_space<vmem>>
      %dma_start3A_456 = arith.constant 0 : i32
      %dma_start3A_457 = arith.constant 0 : i32
      %dma_start3A_458 = tpu.memref_slice %arg4[%add3A_450, %dma_start3A_456, %dma_start3A_457] : memref<4096x56x128xf32, #tpu.memory_space<hbm>> -> memref<1x50x64xf32, #tpu.memory_space<hbm>>
      %dma_start3A_459 = tpu.memref_squeeze %dma_start3A_458 : memref<1x50x64xf32, #tpu.memory_space<hbm>> -> memref<50x64xf32, #tpu.memory_space<hbm>>
      %dma_start3A_460 = arith.constant 0 : i32
      %dma_start3A_461 = arith.constant 0 : i32
      %dma_start3A_462 = tpu.memref_slice %arg4[%add3A_450, %dma_start3A_460, %dma_start3A_461] : memref<4096x56x128xf32, #tpu.memory_space<hbm>> -> memref<1x50x64xf32, #tpu.memory_space<hbm>>
      %dma_start3A_463 = tpu.memref_squeeze %dma_start3A_462 : memref<1x50x64xf32, #tpu.memory_space<hbm>> -> memref<50x64xf32, #tpu.memory_space<hbm>>
      %dma_start3A_464 = arith.constant 0 : i32
      %dma_start3A_465 = arith.constant 0 : i32
      %dma_start3A_466 = tpu.memref_slice %arg6[%dma_start3A_451, %dma_start3A_464, %dma_start3A_465] : memref<8x50x64xf32, #tpu.memory_space<vmem>> -> memref<1x50x64xf32, #tpu.memory_space<vmem>>
      %dma_start3A_467 = tpu.memref_squeeze %dma_start3A_466 : memref<1x50x64xf32, #tpu.memory_space<vmem>> -> memref<50x64xf32, #tpu.memory_space<vmem>>
      tpu.enqueue_dma source(%dma_start3A_467 : memref<50x64xf32, #tpu.memory_space<vmem>>) target(%dma_start3A_463 : memref<50x64xf32, #tpu.memory_space<hbm>>) target_semaphore(%arg19 : memref<!tpu.dma_semaphore, #tpu.memory_space<semaphore_mem>>)
      %add3A_468 = arith.constant 7 : i32
      %add3A_469 = arith.addi %add3A_437, %add3A_468 : i32
      %lt3A_470 = arith.constant 128 : i32
      %lt3A_471 = arith.cmpi slt, %add3A_469, %lt3A_470 : i32
      %add3A_472 = arith.constant 7 : i32
      %add3A_473 = arith.addi %add3A_437, %add3A_472 : i32
      %ge3A_474 = arith.constant 8 : i32
      %ge3A_475 = arith.cmpi sge, %add3A_473, %ge3A_474 : i32
      %and3A_476 = arith.andi %lt3A_471, %ge3A_475 : i1
      %convert_element_type3A_477 = arith.extui %and3A_476 : i1 to i32
      %cond3A_478 = arith.constant 0 : i32
      %cond3A_479 = arith.cmpi ne, %convert_element_type3A_477, %cond3A_478 : i32
      scf.if %cond3A_479 {
        %dma_wait3A_646 = arith.constant 3 : i32
        %dma_wait3A_647 = arith.constant 0 : i32
        %dma_wait3A_648 = arith.constant 0 : i32
        %dma_wait3A_649 = tpu.memref_slice %arg6[%dma_wait3A_646, %dma_wait3A_647, %dma_wait3A_648] : memref<8x50x64xf32, #tpu.memory_space<vmem>> -> memref<1x50x64xf32, #tpu.memory_space<vmem>>
        %dma_wait3A_650 = tpu.memref_squeeze %dma_wait3A_649 : memref<1x50x64xf32, #tpu.memory_space<vmem>> -> memref<50x64xf32, #tpu.memory_space<vmem>>
        %dma_wait3A_651 = arith.constant 0 : i32
        %dma_wait3A_652 = arith.constant 0 : i32
        %dma_wait3A_653 = tpu.memref_slice %arg4[%mul3A_2, %dma_wait3A_651, %dma_wait3A_652] : memref<4096x56x128xf32, #tpu.memory_space<hbm>> -> memref<1x50x64xf32, #tpu.memory_space<hbm>>
        %dma_wait3A_654 = tpu.memref_squeeze %dma_wait3A_653 : memref<1x50x64xf32, #tpu.memory_space<hbm>> -> memref<50x64xf32, #tpu.memory_space<hbm>>
        %dma_wait3A_655 = arith.constant 0 : i32
        %dma_wait3A_656 = arith.constant 0 : i32
        %dma_wait3A_657 = tpu.memref_slice %arg4[%mul3A_2, %dma_wait3A_655, %dma_wait3A_656] : memref<4096x56x128xf32, #tpu.memory_space<hbm>> -> memref<1x50x64xf32, #tpu.memory_space<hbm>>
        %dma_wait3A_658 = tpu.memref_squeeze %dma_wait3A_657 : memref<1x50x64xf32, #tpu.memory_space<hbm>> -> memref<50x64xf32, #tpu.memory_space<hbm>>
        %dma_wait3A_659 = arith.constant 0 : i32
        %dma_wait3A_660 = arith.constant 0 : i32
        %dma_wait3A_661 = tpu.memref_slice %arg6[%dma_wait3A_646, %dma_wait3A_659, %dma_wait3A_660] : memref<8x50x64xf32, #tpu.memory_space<vmem>> -> memref<1x50x64xf32, #tpu.memory_space<vmem>>
        %dma_wait3A_662 = tpu.memref_squeeze %dma_wait3A_661 : memref<1x50x64xf32, #tpu.memory_space<vmem>> -> memref<50x64xf32, #tpu.memory_space<vmem>>
        tpu.wait_dma2 semaphore(%arg18 : memref<!tpu.dma_semaphore, #tpu.memory_space<semaphore_mem>>) src(%dma_wait3A_662 : memref<50x64xf32, #tpu.memory_space<vmem>>) dst(%dma_wait3A_658 : memref<50x64xf32, #tpu.memory_space<hbm>>)
      } else {
      }
      %add3A_480 = arith.constant 7 : i32
      %add3A_481 = arith.addi %add3A_437, %add3A_480 : i32
      %lt3A_482 = arith.constant 128 : i32
      %lt3A_483 = arith.cmpi slt, %add3A_481, %lt3A_482 : i32
      %convert_element_type3A_484 = arith.extui %lt3A_483 : i1 to i32
      %cond3A_485 = arith.constant 0 : i32
      %cond3A_486 = arith.cmpi ne, %convert_element_type3A_484, %cond3A_485 : i32
      scf.if %cond3A_486 {
        %add3A_646 = arith.constant 7 : i32
        %add3A_647 = arith.addi %add3A_437, %add3A_646 : i32
        %dma_start3A_648 = arith.constant 3 : i32
        %dma_start3A_649 = arith.constant 0 : i32
        %dma_start3A_650 = arith.constant 0 : i32
        %dma_start3A_651 = tpu.memref_slice %arg6[%dma_start3A_648, %dma_start3A_649, %dma_start3A_650] : memref<8x50x64xf32, #tpu.memory_space<vmem>> -> memref<1x50x64xf32, #tpu.memory_space<vmem>>
        %dma_start3A_652 = tpu.memref_squeeze %dma_start3A_651 : memref<1x50x64xf32, #tpu.memory_space<vmem>> -> memref<50x64xf32, #tpu.memory_space<vmem>>
        %dma_start3A_653 = arith.constant 0 : i32
        %dma_start3A_654 = tpu.memref_slice %arg5[%add3A_647, %dma_start3A_653] : memref<128x50xi32, #tpu.memory_space<vmem>> -> memref<1x50xi32, #tpu.memory_space<vmem>>
        %dma_start3A_655 = tpu.memref_squeeze %dma_start3A_654 : memref<1x50xi32, #tpu.memory_space<vmem>> -> memref<50xi32, #tpu.memory_space<vmem>>
        %dma_start3A_656 = arith.constant 0 : i32
        %dma_start3A_657 = arith.constant 0 : i32
        %dma_start3A_658 = tpu.memref_slice %arg3[%dma_start3A_656, %dma_start3A_657] : memref<200000x64xf32, #tpu.memory_space<hbm>> -> memref<200000x64xf32, #tpu.memory_space<hbm>>
        tpu.enqueue_indirect_dma source(%dma_start3A_658 : memref<200000x64xf32, #tpu.memory_space<hbm>>) target(%dma_start3A_652 : memref<50x64xf32, #tpu.memory_space<vmem>>) offsets(%dma_start3A_655 : memref<50xi32, #tpu.memory_space<vmem>>) semaphore(%arg10 : memref<!tpu.dma_semaphore, #tpu.memory_space<semaphore_mem>>)
      } else {
      }
      %mul3A_487 = arith.constant 8 : i32
      %mul3A_488 = arith.muli %scan3A_226, %mul3A_487 : i32
      %add3A_489 = arith.constant 5 : i32
      %add3A_490 = arith.addi %mul3A_488, %add3A_489 : i32
      %dma_wait3A_491 = arith.constant 5 : i32
      %dma_wait3A_492 = arith.constant 5 : i32
      %dma_wait3A_493 = arith.constant 0 : i32
      %dma_wait3A_494 = arith.constant 0 : i32
      %dma_wait3A_495 = tpu.memref_slice %arg6[%dma_wait3A_492, %dma_wait3A_493, %dma_wait3A_494] : memref<8x50x64xf32, #tpu.memory_space<vmem>> -> memref<1x50x64xf32, #tpu.memory_space<vmem>>
      %dma_wait3A_496 = tpu.memref_squeeze %dma_wait3A_495 : memref<1x50x64xf32, #tpu.memory_space<vmem>> -> memref<50x64xf32, #tpu.memory_space<vmem>>
      %dma_wait3A_497 = arith.constant 0 : i32
      %dma_wait3A_498 = tpu.memref_slice %arg5[%dma_wait3A_491, %dma_wait3A_497] : memref<128x50xi32, #tpu.memory_space<vmem>> -> memref<1x50xi32, #tpu.memory_space<vmem>>
      %dma_wait3A_499 = tpu.memref_squeeze %dma_wait3A_498 : memref<1x50xi32, #tpu.memory_space<vmem>> -> memref<50xi32, #tpu.memory_space<vmem>>
      %dma_wait3A_500 = arith.constant 0 : i32
      %dma_wait3A_501 = arith.constant 0 : i32
      %dma_wait3A_502 = tpu.memref_slice %arg3[%dma_wait3A_500, %dma_wait3A_501] : memref<200000x64xf32, #tpu.memory_space<hbm>> -> memref<200000x64xf32, #tpu.memory_space<hbm>>
      tpu.wait_indirect_dma semaphore(%arg12 : memref<!tpu.dma_semaphore, #tpu.memory_space<semaphore_mem>>) src(%dma_wait3A_502 : memref<200000x64xf32, #tpu.memory_space<hbm>>) dst(%dma_wait3A_496 : memref<50x64xf32, #tpu.memory_space<vmem>>)
      %add3A_503 = arith.addi %mul3A_2, %add3A_490 : i32
      %dma_start3A_504 = arith.constant 5 : i32
      %dma_start3A_505 = arith.constant 0 : i32
      %dma_start3A_506 = arith.constant 0 : i32
      %dma_start3A_507 = tpu.memref_slice %arg6[%dma_start3A_504, %dma_start3A_505, %dma_start3A_506] : memref<8x50x64xf32, #tpu.memory_space<vmem>> -> memref<1x50x64xf32, #tpu.memory_space<vmem>>
      %dma_start3A_508 = tpu.memref_squeeze %dma_start3A_507 : memref<1x50x64xf32, #tpu.memory_space<vmem>> -> memref<50x64xf32, #tpu.memory_space<vmem>>
      %dma_start3A_509 = arith.constant 0 : i32
      %dma_start3A_510 = arith.constant 0 : i32
      %dma_start3A_511 = tpu.memref_slice %arg4[%add3A_503, %dma_start3A_509, %dma_start3A_510] : memref<4096x56x128xf32, #tpu.memory_space<hbm>> -> memref<1x50x64xf32, #tpu.memory_space<hbm>>
      %dma_start3A_512 = tpu.memref_squeeze %dma_start3A_511 : memref<1x50x64xf32, #tpu.memory_space<hbm>> -> memref<50x64xf32, #tpu.memory_space<hbm>>
      %dma_start3A_513 = arith.constant 0 : i32
      %dma_start3A_514 = arith.constant 0 : i32
      %dma_start3A_515 = tpu.memref_slice %arg4[%add3A_503, %dma_start3A_513, %dma_start3A_514] : memref<4096x56x128xf32, #tpu.memory_space<hbm>> -> memref<1x50x64xf32, #tpu.memory_space<hbm>>
      %dma_start3A_516 = tpu.memref_squeeze %dma_start3A_515 : memref<1x50x64xf32, #tpu.memory_space<hbm>> -> memref<50x64xf32, #tpu.memory_space<hbm>>
      %dma_start3A_517 = arith.constant 0 : i32
      %dma_start3A_518 = arith.constant 0 : i32
      %dma_start3A_519 = tpu.memref_slice %arg6[%dma_start3A_504, %dma_start3A_517, %dma_start3A_518] : memref<8x50x64xf32, #tpu.memory_space<vmem>> -> memref<1x50x64xf32, #tpu.memory_space<vmem>>
      %dma_start3A_520 = tpu.memref_squeeze %dma_start3A_519 : memref<1x50x64xf32, #tpu.memory_space<vmem>> -> memref<50x64xf32, #tpu.memory_space<vmem>>
      tpu.enqueue_dma source(%dma_start3A_520 : memref<50x64xf32, #tpu.memory_space<vmem>>) target(%dma_start3A_516 : memref<50x64xf32, #tpu.memory_space<hbm>>) target_semaphore(%arg20 : memref<!tpu.dma_semaphore, #tpu.memory_space<semaphore_mem>>)
      %add3A_521 = arith.constant 7 : i32
      %add3A_522 = arith.addi %add3A_490, %add3A_521 : i32
      %lt3A_523 = arith.constant 128 : i32
      %lt3A_524 = arith.cmpi slt, %add3A_522, %lt3A_523 : i32
      %add3A_525 = arith.constant 7 : i32
      %add3A_526 = arith.addi %add3A_490, %add3A_525 : i32
      %ge3A_527 = arith.constant 8 : i32
      %ge3A_528 = arith.cmpi sge, %add3A_526, %ge3A_527 : i32
      %and3A_529 = arith.andi %lt3A_524, %ge3A_528 : i1
      %convert_element_type3A_530 = arith.extui %and3A_529 : i1 to i32
      %cond3A_531 = arith.constant 0 : i32
      %cond3A_532 = arith.cmpi ne, %convert_element_type3A_530, %cond3A_531 : i32
      scf.if %cond3A_532 {
        %dma_wait3A_646 = arith.constant 4 : i32
        %dma_wait3A_647 = arith.constant 0 : i32
        %dma_wait3A_648 = arith.constant 0 : i32
        %dma_wait3A_649 = tpu.memref_slice %arg6[%dma_wait3A_646, %dma_wait3A_647, %dma_wait3A_648] : memref<8x50x64xf32, #tpu.memory_space<vmem>> -> memref<1x50x64xf32, #tpu.memory_space<vmem>>
        %dma_wait3A_650 = tpu.memref_squeeze %dma_wait3A_649 : memref<1x50x64xf32, #tpu.memory_space<vmem>> -> memref<50x64xf32, #tpu.memory_space<vmem>>
        %dma_wait3A_651 = arith.constant 0 : i32
        %dma_wait3A_652 = arith.constant 0 : i32
        %dma_wait3A_653 = tpu.memref_slice %arg4[%mul3A_2, %dma_wait3A_651, %dma_wait3A_652] : memref<4096x56x128xf32, #tpu.memory_space<hbm>> -> memref<1x50x64xf32, #tpu.memory_space<hbm>>
        %dma_wait3A_654 = tpu.memref_squeeze %dma_wait3A_653 : memref<1x50x64xf32, #tpu.memory_space<hbm>> -> memref<50x64xf32, #tpu.memory_space<hbm>>
        %dma_wait3A_655 = arith.constant 0 : i32
        %dma_wait3A_656 = arith.constant 0 : i32
        %dma_wait3A_657 = tpu.memref_slice %arg4[%mul3A_2, %dma_wait3A_655, %dma_wait3A_656] : memref<4096x56x128xf32, #tpu.memory_space<hbm>> -> memref<1x50x64xf32, #tpu.memory_space<hbm>>
        %dma_wait3A_658 = tpu.memref_squeeze %dma_wait3A_657 : memref<1x50x64xf32, #tpu.memory_space<hbm>> -> memref<50x64xf32, #tpu.memory_space<hbm>>
        %dma_wait3A_659 = arith.constant 0 : i32
        %dma_wait3A_660 = arith.constant 0 : i32
        %dma_wait3A_661 = tpu.memref_slice %arg6[%dma_wait3A_646, %dma_wait3A_659, %dma_wait3A_660] : memref<8x50x64xf32, #tpu.memory_space<vmem>> -> memref<1x50x64xf32, #tpu.memory_space<vmem>>
        %dma_wait3A_662 = tpu.memref_squeeze %dma_wait3A_661 : memref<1x50x64xf32, #tpu.memory_space<vmem>> -> memref<50x64xf32, #tpu.memory_space<vmem>>
        tpu.wait_dma2 semaphore(%arg19 : memref<!tpu.dma_semaphore, #tpu.memory_space<semaphore_mem>>) src(%dma_wait3A_662 : memref<50x64xf32, #tpu.memory_space<vmem>>) dst(%dma_wait3A_658 : memref<50x64xf32, #tpu.memory_space<hbm>>)
      } else {
      }
      %add3A_533 = arith.constant 7 : i32
      %add3A_534 = arith.addi %add3A_490, %add3A_533 : i32
      %lt3A_535 = arith.constant 128 : i32
      %lt3A_536 = arith.cmpi slt, %add3A_534, %lt3A_535 : i32
      %convert_element_type3A_537 = arith.extui %lt3A_536 : i1 to i32
      %cond3A_538 = arith.constant 0 : i32
      %cond3A_539 = arith.cmpi ne, %convert_element_type3A_537, %cond3A_538 : i32
      scf.if %cond3A_539 {
        %add3A_646 = arith.constant 7 : i32
        %add3A_647 = arith.addi %add3A_490, %add3A_646 : i32
        %dma_start3A_648 = arith.constant 4 : i32
        %dma_start3A_649 = arith.constant 0 : i32
        %dma_start3A_650 = arith.constant 0 : i32
        %dma_start3A_651 = tpu.memref_slice %arg6[%dma_start3A_648, %dma_start3A_649, %dma_start3A_650] : memref<8x50x64xf32, #tpu.memory_space<vmem>> -> memref<1x50x64xf32, #tpu.memory_space<vmem>>
        %dma_start3A_652 = tpu.memref_squeeze %dma_start3A_651 : memref<1x50x64xf32, #tpu.memory_space<vmem>> -> memref<50x64xf32, #tpu.memory_space<vmem>>
        %dma_start3A_653 = arith.constant 0 : i32
        %dma_start3A_654 = tpu.memref_slice %arg5[%add3A_647, %dma_start3A_653] : memref<128x50xi32, #tpu.memory_space<vmem>> -> memref<1x50xi32, #tpu.memory_space<vmem>>
        %dma_start3A_655 = tpu.memref_squeeze %dma_start3A_654 : memref<1x50xi32, #tpu.memory_space<vmem>> -> memref<50xi32, #tpu.memory_space<vmem>>
        %dma_start3A_656 = arith.constant 0 : i32
        %dma_start3A_657 = arith.constant 0 : i32
        %dma_start3A_658 = tpu.memref_slice %arg3[%dma_start3A_656, %dma_start3A_657] : memref<200000x64xf32, #tpu.memory_space<hbm>> -> memref<200000x64xf32, #tpu.memory_space<hbm>>
        tpu.enqueue_indirect_dma source(%dma_start3A_658 : memref<200000x64xf32, #tpu.memory_space<hbm>>) target(%dma_start3A_652 : memref<50x64xf32, #tpu.memory_space<vmem>>) offsets(%dma_start3A_655 : memref<50xi32, #tpu.memory_space<vmem>>) semaphore(%arg11 : memref<!tpu.dma_semaphore, #tpu.memory_space<semaphore_mem>>)
      } else {
      }
      %mul3A_540 = arith.constant 8 : i32
      %mul3A_541 = arith.muli %scan3A_226, %mul3A_540 : i32
      %add3A_542 = arith.constant 6 : i32
      %add3A_543 = arith.addi %mul3A_541, %add3A_542 : i32
      %dma_wait3A_544 = arith.constant 6 : i32
      %dma_wait3A_545 = arith.constant 6 : i32
      %dma_wait3A_546 = arith.constant 0 : i32
      %dma_wait3A_547 = arith.constant 0 : i32
      %dma_wait3A_548 = tpu.memref_slice %arg6[%dma_wait3A_545, %dma_wait3A_546, %dma_wait3A_547] : memref<8x50x64xf32, #tpu.memory_space<vmem>> -> memref<1x50x64xf32, #tpu.memory_space<vmem>>
      %dma_wait3A_549 = tpu.memref_squeeze %dma_wait3A_548 : memref<1x50x64xf32, #tpu.memory_space<vmem>> -> memref<50x64xf32, #tpu.memory_space<vmem>>
      %dma_wait3A_550 = arith.constant 0 : i32
      %dma_wait3A_551 = tpu.memref_slice %arg5[%dma_wait3A_544, %dma_wait3A_550] : memref<128x50xi32, #tpu.memory_space<vmem>> -> memref<1x50xi32, #tpu.memory_space<vmem>>
      %dma_wait3A_552 = tpu.memref_squeeze %dma_wait3A_551 : memref<1x50xi32, #tpu.memory_space<vmem>> -> memref<50xi32, #tpu.memory_space<vmem>>
      %dma_wait3A_553 = arith.constant 0 : i32
      %dma_wait3A_554 = arith.constant 0 : i32
      %dma_wait3A_555 = tpu.memref_slice %arg3[%dma_wait3A_553, %dma_wait3A_554] : memref<200000x64xf32, #tpu.memory_space<hbm>> -> memref<200000x64xf32, #tpu.memory_space<hbm>>
      tpu.wait_indirect_dma semaphore(%arg13 : memref<!tpu.dma_semaphore, #tpu.memory_space<semaphore_mem>>) src(%dma_wait3A_555 : memref<200000x64xf32, #tpu.memory_space<hbm>>) dst(%dma_wait3A_549 : memref<50x64xf32, #tpu.memory_space<vmem>>)
      %add3A_556 = arith.addi %mul3A_2, %add3A_543 : i32
      %dma_start3A_557 = arith.constant 6 : i32
      %dma_start3A_558 = arith.constant 0 : i32
      %dma_start3A_559 = arith.constant 0 : i32
      %dma_start3A_560 = tpu.memref_slice %arg6[%dma_start3A_557, %dma_start3A_558, %dma_start3A_559] : memref<8x50x64xf32, #tpu.memory_space<vmem>> -> memref<1x50x64xf32, #tpu.memory_space<vmem>>
      %dma_start3A_561 = tpu.memref_squeeze %dma_start3A_560 : memref<1x50x64xf32, #tpu.memory_space<vmem>> -> memref<50x64xf32, #tpu.memory_space<vmem>>
      %dma_start3A_562 = arith.constant 0 : i32
      %dma_start3A_563 = arith.constant 0 : i32
      %dma_start3A_564 = tpu.memref_slice %arg4[%add3A_556, %dma_start3A_562, %dma_start3A_563] : memref<4096x56x128xf32, #tpu.memory_space<hbm>> -> memref<1x50x64xf32, #tpu.memory_space<hbm>>
      %dma_start3A_565 = tpu.memref_squeeze %dma_start3A_564 : memref<1x50x64xf32, #tpu.memory_space<hbm>> -> memref<50x64xf32, #tpu.memory_space<hbm>>
      %dma_start3A_566 = arith.constant 0 : i32
      %dma_start3A_567 = arith.constant 0 : i32
      %dma_start3A_568 = tpu.memref_slice %arg4[%add3A_556, %dma_start3A_566, %dma_start3A_567] : memref<4096x56x128xf32, #tpu.memory_space<hbm>> -> memref<1x50x64xf32, #tpu.memory_space<hbm>>
      %dma_start3A_569 = tpu.memref_squeeze %dma_start3A_568 : memref<1x50x64xf32, #tpu.memory_space<hbm>> -> memref<50x64xf32, #tpu.memory_space<hbm>>
      %dma_start3A_570 = arith.constant 0 : i32
      %dma_start3A_571 = arith.constant 0 : i32
      %dma_start3A_572 = tpu.memref_slice %arg6[%dma_start3A_557, %dma_start3A_570, %dma_start3A_571] : memref<8x50x64xf32, #tpu.memory_space<vmem>> -> memref<1x50x64xf32, #tpu.memory_space<vmem>>
      %dma_start3A_573 = tpu.memref_squeeze %dma_start3A_572 : memref<1x50x64xf32, #tpu.memory_space<vmem>> -> memref<50x64xf32, #tpu.memory_space<vmem>>
      tpu.enqueue_dma source(%dma_start3A_573 : memref<50x64xf32, #tpu.memory_space<vmem>>) target(%dma_start3A_569 : memref<50x64xf32, #tpu.memory_space<hbm>>) target_semaphore(%arg21 : memref<!tpu.dma_semaphore, #tpu.memory_space<semaphore_mem>>)
      %add3A_574 = arith.constant 7 : i32
      %add3A_575 = arith.addi %add3A_543, %add3A_574 : i32
      %lt3A_576 = arith.constant 128 : i32
      %lt3A_577 = arith.cmpi slt, %add3A_575, %lt3A_576 : i32
      %add3A_578 = arith.constant 7 : i32
      %add3A_579 = arith.addi %add3A_543, %add3A_578 : i32
      %ge3A_580 = arith.constant 8 : i32
      %ge3A_581 = arith.cmpi sge, %add3A_579, %ge3A_580 : i32
      %and3A_582 = arith.andi %lt3A_577, %ge3A_581 : i1
      %convert_element_type3A_583 = arith.extui %and3A_582 : i1 to i32
      %cond3A_584 = arith.constant 0 : i32
      %cond3A_585 = arith.cmpi ne, %convert_element_type3A_583, %cond3A_584 : i32
      scf.if %cond3A_585 {
        %dma_wait3A_646 = arith.constant 5 : i32
        %dma_wait3A_647 = arith.constant 0 : i32
        %dma_wait3A_648 = arith.constant 0 : i32
        %dma_wait3A_649 = tpu.memref_slice %arg6[%dma_wait3A_646, %dma_wait3A_647, %dma_wait3A_648] : memref<8x50x64xf32, #tpu.memory_space<vmem>> -> memref<1x50x64xf32, #tpu.memory_space<vmem>>
        %dma_wait3A_650 = tpu.memref_squeeze %dma_wait3A_649 : memref<1x50x64xf32, #tpu.memory_space<vmem>> -> memref<50x64xf32, #tpu.memory_space<vmem>>
        %dma_wait3A_651 = arith.constant 0 : i32
        %dma_wait3A_652 = arith.constant 0 : i32
        %dma_wait3A_653 = tpu.memref_slice %arg4[%mul3A_2, %dma_wait3A_651, %dma_wait3A_652] : memref<4096x56x128xf32, #tpu.memory_space<hbm>> -> memref<1x50x64xf32, #tpu.memory_space<hbm>>
        %dma_wait3A_654 = tpu.memref_squeeze %dma_wait3A_653 : memref<1x50x64xf32, #tpu.memory_space<hbm>> -> memref<50x64xf32, #tpu.memory_space<hbm>>
        %dma_wait3A_655 = arith.constant 0 : i32
        %dma_wait3A_656 = arith.constant 0 : i32
        %dma_wait3A_657 = tpu.memref_slice %arg4[%mul3A_2, %dma_wait3A_655, %dma_wait3A_656] : memref<4096x56x128xf32, #tpu.memory_space<hbm>> -> memref<1x50x64xf32, #tpu.memory_space<hbm>>
        %dma_wait3A_658 = tpu.memref_squeeze %dma_wait3A_657 : memref<1x50x64xf32, #tpu.memory_space<hbm>> -> memref<50x64xf32, #tpu.memory_space<hbm>>
        %dma_wait3A_659 = arith.constant 0 : i32
        %dma_wait3A_660 = arith.constant 0 : i32
        %dma_wait3A_661 = tpu.memref_slice %arg6[%dma_wait3A_646, %dma_wait3A_659, %dma_wait3A_660] : memref<8x50x64xf32, #tpu.memory_space<vmem>> -> memref<1x50x64xf32, #tpu.memory_space<vmem>>
        %dma_wait3A_662 = tpu.memref_squeeze %dma_wait3A_661 : memref<1x50x64xf32, #tpu.memory_space<vmem>> -> memref<50x64xf32, #tpu.memory_space<vmem>>
        tpu.wait_dma2 semaphore(%arg20 : memref<!tpu.dma_semaphore, #tpu.memory_space<semaphore_mem>>) src(%dma_wait3A_662 : memref<50x64xf32, #tpu.memory_space<vmem>>) dst(%dma_wait3A_658 : memref<50x64xf32, #tpu.memory_space<hbm>>)
      } else {
      }
      %add3A_586 = arith.constant 7 : i32
      %add3A_587 = arith.addi %add3A_543, %add3A_586 : i32
      %lt3A_588 = arith.constant 128 : i32
      %lt3A_589 = arith.cmpi slt, %add3A_587, %lt3A_588 : i32
      %convert_element_type3A_590 = arith.extui %lt3A_589 : i1 to i32
      %cond3A_591 = arith.constant 0 : i32
      %cond3A_592 = arith.cmpi ne, %convert_element_type3A_590, %cond3A_591 : i32
      scf.if %cond3A_592 {
        %add3A_646 = arith.constant 7 : i32
        %add3A_647 = arith.addi %add3A_543, %add3A_646 : i32
        %dma_start3A_648 = arith.constant 5 : i32
        %dma_start3A_649 = arith.constant 0 : i32
        %dma_start3A_650 = arith.constant 0 : i32
        %dma_start3A_651 = tpu.memref_slice %arg6[%dma_start3A_648, %dma_start3A_649, %dma_start3A_650] : memref<8x50x64xf32, #tpu.memory_space<vmem>> -> memref<1x50x64xf32, #tpu.memory_space<vmem>>
        %dma_start3A_652 = tpu.memref_squeeze %dma_start3A_651 : memref<1x50x64xf32, #tpu.memory_space<vmem>> -> memref<50x64xf32, #tpu.memory_space<vmem>>
        %dma_start3A_653 = arith.constant 0 : i32
        %dma_start3A_654 = tpu.memref_slice %arg5[%add3A_647, %dma_start3A_653] : memref<128x50xi32, #tpu.memory_space<vmem>> -> memref<1x50xi32, #tpu.memory_space<vmem>>
        %dma_start3A_655 = tpu.memref_squeeze %dma_start3A_654 : memref<1x50xi32, #tpu.memory_space<vmem>> -> memref<50xi32, #tpu.memory_space<vmem>>
        %dma_start3A_656 = arith.constant 0 : i32
        %dma_start3A_657 = arith.constant 0 : i32
        %dma_start3A_658 = tpu.memref_slice %arg3[%dma_start3A_656, %dma_start3A_657] : memref<200000x64xf32, #tpu.memory_space<hbm>> -> memref<200000x64xf32, #tpu.memory_space<hbm>>
        tpu.enqueue_indirect_dma source(%dma_start3A_658 : memref<200000x64xf32, #tpu.memory_space<hbm>>) target(%dma_start3A_652 : memref<50x64xf32, #tpu.memory_space<vmem>>) offsets(%dma_start3A_655 : memref<50xi32, #tpu.memory_space<vmem>>) semaphore(%arg12 : memref<!tpu.dma_semaphore, #tpu.memory_space<semaphore_mem>>)
      } else {
      }
      %mul3A_593 = arith.constant 8 : i32
      %mul3A_594 = arith.muli %scan3A_226, %mul3A_593 : i32
      %add3A_595 = arith.constant 7 : i32
      %add3A_596 = arith.addi %mul3A_594, %add3A_595 : i32
      %dma_wait3A_597 = arith.constant 7 : i32
      %dma_wait3A_598 = arith.constant 7 : i32
      %dma_wait3A_599 = arith.constant 0 : i32
      %dma_wait3A_600 = arith.constant 0 : i32
      %dma_wait3A_601 = tpu.memref_slice %arg6[%dma_wait3A_598, %dma_wait3A_599, %dma_wait3A_600] : memref<8x50x64xf32, #tpu.memory_space<vmem>> -> memref<1x50x64xf32, #tpu.memory_space<vmem>>
      %dma_wait3A_602 = tpu.memref_squeeze %dma_wait3A_601 : memref<1x50x64xf32, #tpu.memory_space<vmem>> -> memref<50x64xf32, #tpu.memory_space<vmem>>
      %dma_wait3A_603 = arith.constant 0 : i32
      %dma_wait3A_604 = tpu.memref_slice %arg5[%dma_wait3A_597, %dma_wait3A_603] : memref<128x50xi32, #tpu.memory_space<vmem>> -> memref<1x50xi32, #tpu.memory_space<vmem>>
      %dma_wait3A_605 = tpu.memref_squeeze %dma_wait3A_604 : memref<1x50xi32, #tpu.memory_space<vmem>> -> memref<50xi32, #tpu.memory_space<vmem>>
      %dma_wait3A_606 = arith.constant 0 : i32
      %dma_wait3A_607 = arith.constant 0 : i32
      %dma_wait3A_608 = tpu.memref_slice %arg3[%dma_wait3A_606, %dma_wait3A_607] : memref<200000x64xf32, #tpu.memory_space<hbm>> -> memref<200000x64xf32, #tpu.memory_space<hbm>>
      tpu.wait_indirect_dma semaphore(%arg14 : memref<!tpu.dma_semaphore, #tpu.memory_space<semaphore_mem>>) src(%dma_wait3A_608 : memref<200000x64xf32, #tpu.memory_space<hbm>>) dst(%dma_wait3A_602 : memref<50x64xf32, #tpu.memory_space<vmem>>)
      %add3A_609 = arith.addi %mul3A_2, %add3A_596 : i32
      %dma_start3A_610 = arith.constant 7 : i32
      %dma_start3A_611 = arith.constant 0 : i32
      %dma_start3A_612 = arith.constant 0 : i32
      %dma_start3A_613 = tpu.memref_slice %arg6[%dma_start3A_610, %dma_start3A_611, %dma_start3A_612] : memref<8x50x64xf32, #tpu.memory_space<vmem>> -> memref<1x50x64xf32, #tpu.memory_space<vmem>>
      %dma_start3A_614 = tpu.memref_squeeze %dma_start3A_613 : memref<1x50x64xf32, #tpu.memory_space<vmem>> -> memref<50x64xf32, #tpu.memory_space<vmem>>
      %dma_start3A_615 = arith.constant 0 : i32
      %dma_start3A_616 = arith.constant 0 : i32
      %dma_start3A_617 = tpu.memref_slice %arg4[%add3A_609, %dma_start3A_615, %dma_start3A_616] : memref<4096x56x128xf32, #tpu.memory_space<hbm>> -> memref<1x50x64xf32, #tpu.memory_space<hbm>>
      %dma_start3A_618 = tpu.memref_squeeze %dma_start3A_617 : memref<1x50x64xf32, #tpu.memory_space<hbm>> -> memref<50x64xf32, #tpu.memory_space<hbm>>
      %dma_start3A_619 = arith.constant 0 : i32
      %dma_start3A_620 = arith.constant 0 : i32
      %dma_start3A_621 = tpu.memref_slice %arg4[%add3A_609, %dma_start3A_619, %dma_start3A_620] : memref<4096x56x128xf32, #tpu.memory_space<hbm>> -> memref<1x50x64xf32, #tpu.memory_space<hbm>>
      %dma_start3A_622 = tpu.memref_squeeze %dma_start3A_621 : memref<1x50x64xf32, #tpu.memory_space<hbm>> -> memref<50x64xf32, #tpu.memory_space<hbm>>
      %dma_start3A_623 = arith.constant 0 : i32
      %dma_start3A_624 = arith.constant 0 : i32
      %dma_start3A_625 = tpu.memref_slice %arg6[%dma_start3A_610, %dma_start3A_623, %dma_start3A_624] : memref<8x50x64xf32, #tpu.memory_space<vmem>> -> memref<1x50x64xf32, #tpu.memory_space<vmem>>
      %dma_start3A_626 = tpu.memref_squeeze %dma_start3A_625 : memref<1x50x64xf32, #tpu.memory_space<vmem>> -> memref<50x64xf32, #tpu.memory_space<vmem>>
      tpu.enqueue_dma source(%dma_start3A_626 : memref<50x64xf32, #tpu.memory_space<vmem>>) target(%dma_start3A_622 : memref<50x64xf32, #tpu.memory_space<hbm>>) target_semaphore(%arg22 : memref<!tpu.dma_semaphore, #tpu.memory_space<semaphore_mem>>)
      %add3A_627 = arith.constant 7 : i32
      %add3A_628 = arith.addi %add3A_596, %add3A_627 : i32
      %lt3A_629 = arith.constant 128 : i32
      %lt3A_630 = arith.cmpi slt, %add3A_628, %lt3A_629 : i32
      %add3A_631 = arith.constant 7 : i32
      %add3A_632 = arith.addi %add3A_596, %add3A_631 : i32
      %ge3A_633 = arith.constant 8 : i32
      %ge3A_634 = arith.cmpi sge, %add3A_632, %ge3A_633 : i32
      %and3A_635 = arith.andi %lt3A_630, %ge3A_634 : i1
      %convert_element_type3A_636 = arith.extui %and3A_635 : i1 to i32
      %cond3A_637 = arith.constant 0 : i32
      %cond3A_638 = arith.cmpi ne, %convert_element_type3A_636, %cond3A_637 : i32
      scf.if %cond3A_638 {
        %dma_wait3A_646 = arith.constant 6 : i32
        %dma_wait3A_647 = arith.constant 0 : i32
        %dma_wait3A_648 = arith.constant 0 : i32
        %dma_wait3A_649 = tpu.memref_slice %arg6[%dma_wait3A_646, %dma_wait3A_647, %dma_wait3A_648] : memref<8x50x64xf32, #tpu.memory_space<vmem>> -> memref<1x50x64xf32, #tpu.memory_space<vmem>>
        %dma_wait3A_650 = tpu.memref_squeeze %dma_wait3A_649 : memref<1x50x64xf32, #tpu.memory_space<vmem>> -> memref<50x64xf32, #tpu.memory_space<vmem>>
        %dma_wait3A_651 = arith.constant 0 : i32
        %dma_wait3A_652 = arith.constant 0 : i32
        %dma_wait3A_653 = tpu.memref_slice %arg4[%mul3A_2, %dma_wait3A_651, %dma_wait3A_652] : memref<4096x56x128xf32, #tpu.memory_space<hbm>> -> memref<1x50x64xf32, #tpu.memory_space<hbm>>
        %dma_wait3A_654 = tpu.memref_squeeze %dma_wait3A_653 : memref<1x50x64xf32, #tpu.memory_space<hbm>> -> memref<50x64xf32, #tpu.memory_space<hbm>>
        %dma_wait3A_655 = arith.constant 0 : i32
        %dma_wait3A_656 = arith.constant 0 : i32
        %dma_wait3A_657 = tpu.memref_slice %arg4[%mul3A_2, %dma_wait3A_655, %dma_wait3A_656] : memref<4096x56x128xf32, #tpu.memory_space<hbm>> -> memref<1x50x64xf32, #tpu.memory_space<hbm>>
        %dma_wait3A_658 = tpu.memref_squeeze %dma_wait3A_657 : memref<1x50x64xf32, #tpu.memory_space<hbm>> -> memref<50x64xf32, #tpu.memory_space<hbm>>
        %dma_wait3A_659 = arith.constant 0 : i32
        %dma_wait3A_660 = arith.constant 0 : i32
        %dma_wait3A_661 = tpu.memref_slice %arg6[%dma_wait3A_646, %dma_wait3A_659, %dma_wait3A_660] : memref<8x50x64xf32, #tpu.memory_space<vmem>> -> memref<1x50x64xf32, #tpu.memory_space<vmem>>
        %dma_wait3A_662 = tpu.memref_squeeze %dma_wait3A_661 : memref<1x50x64xf32, #tpu.memory_space<vmem>> -> memref<50x64xf32, #tpu.memory_space<vmem>>
        tpu.wait_dma2 semaphore(%arg21 : memref<!tpu.dma_semaphore, #tpu.memory_space<semaphore_mem>>) src(%dma_wait3A_662 : memref<50x64xf32, #tpu.memory_space<vmem>>) dst(%dma_wait3A_658 : memref<50x64xf32, #tpu.memory_space<hbm>>)
      } else {
      }
      %add3A_639 = arith.constant 7 : i32
      %add3A_640 = arith.addi %add3A_596, %add3A_639 : i32
      %lt3A_641 = arith.constant 128 : i32
      %lt3A_642 = arith.cmpi slt, %add3A_640, %lt3A_641 : i32
      %convert_element_type3A_643 = arith.extui %lt3A_642 : i1 to i32
      %cond3A_644 = arith.constant 0 : i32
      %cond3A_645 = arith.cmpi ne, %convert_element_type3A_643, %cond3A_644 : i32
      scf.if %cond3A_645 {
        %add3A_646 = arith.constant 7 : i32
        %add3A_647 = arith.addi %add3A_596, %add3A_646 : i32
        %dma_start3A_648 = arith.constant 6 : i32
        %dma_start3A_649 = arith.constant 0 : i32
        %dma_start3A_650 = arith.constant 0 : i32
        %dma_start3A_651 = tpu.memref_slice %arg6[%dma_start3A_648, %dma_start3A_649, %dma_start3A_650] : memref<8x50x64xf32, #tpu.memory_space<vmem>> -> memref<1x50x64xf32, #tpu.memory_space<vmem>>
        %dma_start3A_652 = tpu.memref_squeeze %dma_start3A_651 : memref<1x50x64xf32, #tpu.memory_space<vmem>> -> memref<50x64xf32, #tpu.memory_space<vmem>>
        %dma_start3A_653 = arith.constant 0 : i32
        %dma_start3A_654 = tpu.memref_slice %arg5[%add3A_647, %dma_start3A_653] : memref<128x50xi32, #tpu.memory_space<vmem>> -> memref<1x50xi32, #tpu.memory_space<vmem>>
        %dma_start3A_655 = tpu.memref_squeeze %dma_start3A_654 : memref<1x50xi32, #tpu.memory_space<vmem>> -> memref<50xi32, #tpu.memory_space<vmem>>
        %dma_start3A_656 = arith.constant 0 : i32
        %dma_start3A_657 = arith.constant 0 : i32
        %dma_start3A_658 = tpu.memref_slice %arg3[%dma_start3A_656, %dma_start3A_657] : memref<200000x64xf32, #tpu.memory_space<hbm>> -> memref<200000x64xf32, #tpu.memory_space<hbm>>
        tpu.enqueue_indirect_dma source(%dma_start3A_658 : memref<200000x64xf32, #tpu.memory_space<hbm>>) target(%dma_start3A_652 : memref<50x64xf32, #tpu.memory_space<vmem>>) offsets(%dma_start3A_655 : memref<50xi32, #tpu.memory_space<vmem>>) semaphore(%arg13 : memref<!tpu.dma_semaphore, #tpu.memory_space<semaphore_mem>>)
      } else {
      }
    }
    %scan3A_90 = arith.constant 16 : i32
    %dma_wait3A = arith.constant 0 : i32
    %dma_wait3A_91 = arith.constant 0 : i32
    %dma_wait3A_92 = arith.constant 0 : i32
    %dma_wait3A_93 = tpu.memref_slice %arg6[%dma_wait3A, %dma_wait3A_91, %dma_wait3A_92] : memref<8x50x64xf32, #tpu.memory_space<vmem>> -> memref<1x50x64xf32, #tpu.memory_space<vmem>>
    %dma_wait3A_94 = tpu.memref_squeeze %dma_wait3A_93 : memref<1x50x64xf32, #tpu.memory_space<vmem>> -> memref<50x64xf32, #tpu.memory_space<vmem>>
    %dma_wait3A_95 = arith.constant 0 : i32
    %dma_wait3A_96 = arith.constant 0 : i32
    %dma_wait3A_97 = tpu.memref_slice %arg4[%mul3A_2, %dma_wait3A_95, %dma_wait3A_96] : memref<4096x56x128xf32, #tpu.memory_space<hbm>> -> memref<1x50x64xf32, #tpu.memory_space<hbm>>
    %dma_wait3A_98 = tpu.memref_squeeze %dma_wait3A_97 : memref<1x50x64xf32, #tpu.memory_space<hbm>> -> memref<50x64xf32, #tpu.memory_space<hbm>>
    %dma_wait3A_99 = arith.constant 0 : i32
    %dma_wait3A_100 = arith.constant 0 : i32
    %dma_wait3A_101 = tpu.memref_slice %arg4[%mul3A_2, %dma_wait3A_99, %dma_wait3A_100] : memref<4096x56x128xf32, #tpu.memory_space<hbm>> -> memref<1x50x64xf32, #tpu.memory_space<hbm>>
    %dma_wait3A_102 = tpu.memref_squeeze %dma_wait3A_101 : memref<1x50x64xf32, #tpu.memory_space<hbm>> -> memref<50x64xf32, #tpu.memory_space<hbm>>
    %dma_wait3A_103 = arith.constant 0 : i32
    %dma_wait3A_104 = arith.constant 0 : i32
    %dma_wait3A_105 = tpu.memref_slice %arg6[%dma_wait3A, %dma_wait3A_103, %dma_wait3A_104] : memref<8x50x64xf32, #tpu.memory_space<vmem>> -> memref<1x50x64xf32, #tpu.memory_space<vmem>>
    %dma_wait3A_106 = tpu.memref_squeeze %dma_wait3A_105 : memref<1x50x64xf32, #tpu.memory_space<vmem>> -> memref<50x64xf32, #tpu.memory_space<vmem>>
    tpu.wait_dma2 semaphore(%arg15 : memref<!tpu.dma_semaphore, #tpu.memory_space<semaphore_mem>>) src(%dma_wait3A_106 : memref<50x64xf32, #tpu.memory_space<vmem>>) dst(%dma_wait3A_102 : memref<50x64xf32, #tpu.memory_space<hbm>>)
    %dma_wait3A_107 = arith.constant 1 : i32
    %dma_wait3A_108 = arith.constant 0 : i32
    %dma_wait3A_109 = arith.constant 0 : i32
    %dma_wait3A_110 = tpu.memref_slice %arg6[%dma_wait3A_107, %dma_wait3A_108, %dma_wait3A_109] : memref<8x50x64xf32, #tpu.memory_space<vmem>> -> memref<1x50x64xf32, #tpu.memory_space<vmem>>
    %dma_wait3A_111 = tpu.memref_squeeze %dma_wait3A_110 : memref<1x50x64xf32, #tpu.memory_space<vmem>> -> memref<50x64xf32, #tpu.memory_space<vmem>>
    %dma_wait3A_112 = arith.constant 0 : i32
    %dma_wait3A_113 = arith.constant 0 : i32
    %dma_wait3A_114 = tpu.memref_slice %arg4[%mul3A_2, %dma_wait3A_112, %dma_wait3A_113] : memref<4096x56x128xf32, #tpu.memory_space<hbm>> -> memref<1x50x64xf32, #tpu.memory_space<hbm>>
    %dma_wait3A_115 = tpu.memref_squeeze %dma_wait3A_114 : memref<1x50x64xf32, #tpu.memory_space<hbm>> -> memref<50x64xf32, #tpu.memory_space<hbm>>
    %dma_wait3A_116 = arith.constant 0 : i32
    %dma_wait3A_117 = arith.constant 0 : i32
    %dma_wait3A_118 = tpu.memref_slice %arg4[%mul3A_2, %dma_wait3A_116, %dma_wait3A_117] : memref<4096x56x128xf32, #tpu.memory_space<hbm>> -> memref<1x50x64xf32, #tpu.memory_space<hbm>>
    %dma_wait3A_119 = tpu.memref_squeeze %dma_wait3A_118 : memref<1x50x64xf32, #tpu.memory_space<hbm>> -> memref<50x64xf32, #tpu.memory_space<hbm>>
    %dma_wait3A_120 = arith.constant 0 : i32
    %dma_wait3A_121 = arith.constant 0 : i32
    %dma_wait3A_122 = tpu.memref_slice %arg6[%dma_wait3A_107, %dma_wait3A_120, %dma_wait3A_121] : memref<8x50x64xf32, #tpu.memory_space<vmem>> -> memref<1x50x64xf32, #tpu.memory_space<vmem>>
    %dma_wait3A_123 = tpu.memref_squeeze %dma_wait3A_122 : memref<1x50x64xf32, #tpu.memory_space<vmem>> -> memref<50x64xf32, #tpu.memory_space<vmem>>
    tpu.wait_dma2 semaphore(%arg16 : memref<!tpu.dma_semaphore, #tpu.memory_space<semaphore_mem>>) src(%dma_wait3A_123 : memref<50x64xf32, #tpu.memory_space<vmem>>) dst(%dma_wait3A_119 : memref<50x64xf32, #tpu.memory_space<hbm>>)
    %dma_wait3A_124 = arith.constant 2 : i32
    %dma_wait3A_125 = arith.constant 0 : i32
    %dma_wait3A_126 = arith.constant 0 : i32
    %dma_wait3A_127 = tpu.memref_slice %arg6[%dma_wait3A_124, %dma_wait3A_125, %dma_wait3A_126] : memref<8x50x64xf32, #tpu.memory_space<vmem>> -> memref<1x50x64xf32, #tpu.memory_space<vmem>>
    %dma_wait3A_128 = tpu.memref_squeeze %dma_wait3A_127 : memref<1x50x64xf32, #tpu.memory_space<vmem>> -> memref<50x64xf32, #tpu.memory_space<vmem>>
    %dma_wait3A_129 = arith.constant 0 : i32
    %dma_wait3A_130 = arith.constant 0 : i32
    %dma_wait3A_131 = tpu.memref_slice %arg4[%mul3A_2, %dma_wait3A_129, %dma_wait3A_130] : memref<4096x56x128xf32, #tpu.memory_space<hbm>> -> memref<1x50x64xf32, #tpu.memory_space<hbm>>
    %dma_wait3A_132 = tpu.memref_squeeze %dma_wait3A_131 : memref<1x50x64xf32, #tpu.memory_space<hbm>> -> memref<50x64xf32, #tpu.memory_space<hbm>>
    %dma_wait3A_133 = arith.constant 0 : i32
    %dma_wait3A_134 = arith.constant 0 : i32
    %dma_wait3A_135 = tpu.memref_slice %arg4[%mul3A_2, %dma_wait3A_133, %dma_wait3A_134] : memref<4096x56x128xf32, #tpu.memory_space<hbm>> -> memref<1x50x64xf32, #tpu.memory_space<hbm>>
    %dma_wait3A_136 = tpu.memref_squeeze %dma_wait3A_135 : memref<1x50x64xf32, #tpu.memory_space<hbm>> -> memref<50x64xf32, #tpu.memory_space<hbm>>
    %dma_wait3A_137 = arith.constant 0 : i32
    %dma_wait3A_138 = arith.constant 0 : i32
    %dma_wait3A_139 = tpu.memref_slice %arg6[%dma_wait3A_124, %dma_wait3A_137, %dma_wait3A_138] : memref<8x50x64xf32, #tpu.memory_space<vmem>> -> memref<1x50x64xf32, #tpu.memory_space<vmem>>
    %dma_wait3A_140 = tpu.memref_squeeze %dma_wait3A_139 : memref<1x50x64xf32, #tpu.memory_space<vmem>> -> memref<50x64xf32, #tpu.memory_space<vmem>>
    tpu.wait_dma2 semaphore(%arg17 : memref<!tpu.dma_semaphore, #tpu.memory_space<semaphore_mem>>) src(%dma_wait3A_140 : memref<50x64xf32, #tpu.memory_space<vmem>>) dst(%dma_wait3A_136 : memref<50x64xf32, #tpu.memory_space<hbm>>)
    %dma_wait3A_141 = arith.constant 3 : i32
    %dma_wait3A_142 = arith.constant 0 : i32
    %dma_wait3A_143 = arith.constant 0 : i32
    %dma_wait3A_144 = tpu.memref_slice %arg6[%dma_wait3A_141, %dma_wait3A_142, %dma_wait3A_143] : memref<8x50x64xf32, #tpu.memory_space<vmem>> -> memref<1x50x64xf32, #tpu.memory_space<vmem>>
    %dma_wait3A_145 = tpu.memref_squeeze %dma_wait3A_144 : memref<1x50x64xf32, #tpu.memory_space<vmem>> -> memref<50x64xf32, #tpu.memory_space<vmem>>
    %dma_wait3A_146 = arith.constant 0 : i32
    %dma_wait3A_147 = arith.constant 0 : i32
    %dma_wait3A_148 = tpu.memref_slice %arg4[%mul3A_2, %dma_wait3A_146, %dma_wait3A_147] : memref<4096x56x128xf32, #tpu.memory_space<hbm>> -> memref<1x50x64xf32, #tpu.memory_space<hbm>>
    %dma_wait3A_149 = tpu.memref_squeeze %dma_wait3A_148 : memref<1x50x64xf32, #tpu.memory_space<hbm>> -> memref<50x64xf32, #tpu.memory_space<hbm>>
    %dma_wait3A_150 = arith.constant 0 : i32
    %dma_wait3A_151 = arith.constant 0 : i32
    %dma_wait3A_152 = tpu.memref_slice %arg4[%mul3A_2, %dma_wait3A_150, %dma_wait3A_151] : memref<4096x56x128xf32, #tpu.memory_space<hbm>> -> memref<1x50x64xf32, #tpu.memory_space<hbm>>
    %dma_wait3A_153 = tpu.memref_squeeze %dma_wait3A_152 : memref<1x50x64xf32, #tpu.memory_space<hbm>> -> memref<50x64xf32, #tpu.memory_space<hbm>>
    %dma_wait3A_154 = arith.constant 0 : i32
    %dma_wait3A_155 = arith.constant 0 : i32
    %dma_wait3A_156 = tpu.memref_slice %arg6[%dma_wait3A_141, %dma_wait3A_154, %dma_wait3A_155] : memref<8x50x64xf32, #tpu.memory_space<vmem>> -> memref<1x50x64xf32, #tpu.memory_space<vmem>>
    %dma_wait3A_157 = tpu.memref_squeeze %dma_wait3A_156 : memref<1x50x64xf32, #tpu.memory_space<vmem>> -> memref<50x64xf32, #tpu.memory_space<vmem>>
    tpu.wait_dma2 semaphore(%arg18 : memref<!tpu.dma_semaphore, #tpu.memory_space<semaphore_mem>>) src(%dma_wait3A_157 : memref<50x64xf32, #tpu.memory_space<vmem>>) dst(%dma_wait3A_153 : memref<50x64xf32, #tpu.memory_space<hbm>>)
    %dma_wait3A_158 = arith.constant 4 : i32
    %dma_wait3A_159 = arith.constant 0 : i32
    %dma_wait3A_160 = arith.constant 0 : i32
    %dma_wait3A_161 = tpu.memref_slice %arg6[%dma_wait3A_158, %dma_wait3A_159, %dma_wait3A_160] : memref<8x50x64xf32, #tpu.memory_space<vmem>> -> memref<1x50x64xf32, #tpu.memory_space<vmem>>
    %dma_wait3A_162 = tpu.memref_squeeze %dma_wait3A_161 : memref<1x50x64xf32, #tpu.memory_space<vmem>> -> memref<50x64xf32, #tpu.memory_space<vmem>>
    %dma_wait3A_163 = arith.constant 0 : i32
    %dma_wait3A_164 = arith.constant 0 : i32
    %dma_wait3A_165 = tpu.memref_slice %arg4[%mul3A_2, %dma_wait3A_163, %dma_wait3A_164] : memref<4096x56x128xf32, #tpu.memory_space<hbm>> -> memref<1x50x64xf32, #tpu.memory_space<hbm>>
    %dma_wait3A_166 = tpu.memref_squeeze %dma_wait3A_165 : memref<1x50x64xf32, #tpu.memory_space<hbm>> -> memref<50x64xf32, #tpu.memory_space<hbm>>
    %dma_wait3A_167 = arith.constant 0 : i32
    %dma_wait3A_168 = arith.constant 0 : i32
    %dma_wait3A_169 = tpu.memref_slice %arg4[%mul3A_2, %dma_wait3A_167, %dma_wait3A_168] : memref<4096x56x128xf32, #tpu.memory_space<hbm>> -> memref<1x50x64xf32, #tpu.memory_space<hbm>>
    %dma_wait3A_170 = tpu.memref_squeeze %dma_wait3A_169 : memref<1x50x64xf32, #tpu.memory_space<hbm>> -> memref<50x64xf32, #tpu.memory_space<hbm>>
    %dma_wait3A_171 = arith.constant 0 : i32
    %dma_wait3A_172 = arith.constant 0 : i32
    %dma_wait3A_173 = tpu.memref_slice %arg6[%dma_wait3A_158, %dma_wait3A_171, %dma_wait3A_172] : memref<8x50x64xf32, #tpu.memory_space<vmem>> -> memref<1x50x64xf32, #tpu.memory_space<vmem>>
    %dma_wait3A_174 = tpu.memref_squeeze %dma_wait3A_173 : memref<1x50x64xf32, #tpu.memory_space<vmem>> -> memref<50x64xf32, #tpu.memory_space<vmem>>
    tpu.wait_dma2 semaphore(%arg19 : memref<!tpu.dma_semaphore, #tpu.memory_space<semaphore_mem>>) src(%dma_wait3A_174 : memref<50x64xf32, #tpu.memory_space<vmem>>) dst(%dma_wait3A_170 : memref<50x64xf32, #tpu.memory_space<hbm>>)
    %dma_wait3A_175 = arith.constant 5 : i32
    %dma_wait3A_176 = arith.constant 0 : i32
    %dma_wait3A_177 = arith.constant 0 : i32
    %dma_wait3A_178 = tpu.memref_slice %arg6[%dma_wait3A_175, %dma_wait3A_176, %dma_wait3A_177] : memref<8x50x64xf32, #tpu.memory_space<vmem>> -> memref<1x50x64xf32, #tpu.memory_space<vmem>>
    %dma_wait3A_179 = tpu.memref_squeeze %dma_wait3A_178 : memref<1x50x64xf32, #tpu.memory_space<vmem>> -> memref<50x64xf32, #tpu.memory_space<vmem>>
    %dma_wait3A_180 = arith.constant 0 : i32
    %dma_wait3A_181 = arith.constant 0 : i32
    %dma_wait3A_182 = tpu.memref_slice %arg4[%mul3A_2, %dma_wait3A_180, %dma_wait3A_181] : memref<4096x56x128xf32, #tpu.memory_space<hbm>> -> memref<1x50x64xf32, #tpu.memory_space<hbm>>
    %dma_wait3A_183 = tpu.memref_squeeze %dma_wait3A_182 : memref<1x50x64xf32, #tpu.memory_space<hbm>> -> memref<50x64xf32, #tpu.memory_space<hbm>>
    %dma_wait3A_184 = arith.constant 0 : i32
    %dma_wait3A_185 = arith.constant 0 : i32
    %dma_wait3A_186 = tpu.memref_slice %arg4[%mul3A_2, %dma_wait3A_184, %dma_wait3A_185] : memref<4096x56x128xf32, #tpu.memory_space<hbm>> -> memref<1x50x64xf32, #tpu.memory_space<hbm>>
    %dma_wait3A_187 = tpu.memref_squeeze %dma_wait3A_186 : memref<1x50x64xf32, #tpu.memory_space<hbm>> -> memref<50x64xf32, #tpu.memory_space<hbm>>
    %dma_wait3A_188 = arith.constant 0 : i32
    %dma_wait3A_189 = arith.constant 0 : i32
    %dma_wait3A_190 = tpu.memref_slice %arg6[%dma_wait3A_175, %dma_wait3A_188, %dma_wait3A_189] : memref<8x50x64xf32, #tpu.memory_space<vmem>> -> memref<1x50x64xf32, #tpu.memory_space<vmem>>
    %dma_wait3A_191 = tpu.memref_squeeze %dma_wait3A_190 : memref<1x50x64xf32, #tpu.memory_space<vmem>> -> memref<50x64xf32, #tpu.memory_space<vmem>>
    tpu.wait_dma2 semaphore(%arg20 : memref<!tpu.dma_semaphore, #tpu.memory_space<semaphore_mem>>) src(%dma_wait3A_191 : memref<50x64xf32, #tpu.memory_space<vmem>>) dst(%dma_wait3A_187 : memref<50x64xf32, #tpu.memory_space<hbm>>)
    %dma_wait3A_192 = arith.constant 6 : i32
    %dma_wait3A_193 = arith.constant 0 : i32
    %dma_wait3A_194 = arith.constant 0 : i32
    %dma_wait3A_195 = tpu.memref_slice %arg6[%dma_wait3A_192, %dma_wait3A_193, %dma_wait3A_194] : memref<8x50x64xf32, #tpu.memory_space<vmem>> -> memref<1x50x64xf32, #tpu.memory_space<vmem>>
    %dma_wait3A_196 = tpu.memref_squeeze %dma_wait3A_195 : memref<1x50x64xf32, #tpu.memory_space<vmem>> -> memref<50x64xf32, #tpu.memory_space<vmem>>
    %dma_wait3A_197 = arith.constant 0 : i32
    %dma_wait3A_198 = arith.constant 0 : i32
    %dma_wait3A_199 = tpu.memref_slice %arg4[%mul3A_2, %dma_wait3A_197, %dma_wait3A_198] : memref<4096x56x128xf32, #tpu.memory_space<hbm>> -> memref<1x50x64xf32, #tpu.memory_space<hbm>>
    %dma_wait3A_200 = tpu.memref_squeeze %dma_wait3A_199 : memref<1x50x64xf32, #tpu.memory_space<hbm>> -> memref<50x64xf32, #tpu.memory_space<hbm>>
    %dma_wait3A_201 = arith.constant 0 : i32
    %dma_wait3A_202 = arith.constant 0 : i32
    %dma_wait3A_203 = tpu.memref_slice %arg4[%mul3A_2, %dma_wait3A_201, %dma_wait3A_202] : memref<4096x56x128xf32, #tpu.memory_space<hbm>> -> memref<1x50x64xf32, #tpu.memory_space<hbm>>
    %dma_wait3A_204 = tpu.memref_squeeze %dma_wait3A_203 : memref<1x50x64xf32, #tpu.memory_space<hbm>> -> memref<50x64xf32, #tpu.memory_space<hbm>>
    %dma_wait3A_205 = arith.constant 0 : i32
    %dma_wait3A_206 = arith.constant 0 : i32
    %dma_wait3A_207 = tpu.memref_slice %arg6[%dma_wait3A_192, %dma_wait3A_205, %dma_wait3A_206] : memref<8x50x64xf32, #tpu.memory_space<vmem>> -> memref<1x50x64xf32, #tpu.memory_space<vmem>>
    %dma_wait3A_208 = tpu.memref_squeeze %dma_wait3A_207 : memref<1x50x64xf32, #tpu.memory_space<vmem>> -> memref<50x64xf32, #tpu.memory_space<vmem>>
    tpu.wait_dma2 semaphore(%arg21 : memref<!tpu.dma_semaphore, #tpu.memory_space<semaphore_mem>>) src(%dma_wait3A_208 : memref<50x64xf32, #tpu.memory_space<vmem>>) dst(%dma_wait3A_204 : memref<50x64xf32, #tpu.memory_space<hbm>>)
    %dma_wait3A_209 = arith.constant 7 : i32
    %dma_wait3A_210 = arith.constant 0 : i32
    %dma_wait3A_211 = arith.constant 0 : i32
    %dma_wait3A_212 = tpu.memref_slice %arg6[%dma_wait3A_209, %dma_wait3A_210, %dma_wait3A_211] : memref<8x50x64xf32, #tpu.memory_space<vmem>> -> memref<1x50x64xf32, #tpu.memory_space<vmem>>
    %dma_wait3A_213 = tpu.memref_squeeze %dma_wait3A_212 : memref<1x50x64xf32, #tpu.memory_space<vmem>> -> memref<50x64xf32, #tpu.memory_space<vmem>>
    %dma_wait3A_214 = arith.constant 0 : i32
    %dma_wait3A_215 = arith.constant 0 : i32
    %dma_wait3A_216 = tpu.memref_slice %arg4[%mul3A_2, %dma_wait3A_214, %dma_wait3A_215] : memref<4096x56x128xf32, #tpu.memory_space<hbm>> -> memref<1x50x64xf32, #tpu.memory_space<hbm>>
    %dma_wait3A_217 = tpu.memref_squeeze %dma_wait3A_216 : memref<1x50x64xf32, #tpu.memory_space<hbm>> -> memref<50x64xf32, #tpu.memory_space<hbm>>
    %dma_wait3A_218 = arith.constant 0 : i32
    %dma_wait3A_219 = arith.constant 0 : i32
    %dma_wait3A_220 = tpu.memref_slice %arg4[%mul3A_2, %dma_wait3A_218, %dma_wait3A_219] : memref<4096x56x128xf32, #tpu.memory_space<hbm>> -> memref<1x50x64xf32, #tpu.memory_space<hbm>>
    %dma_wait3A_221 = tpu.memref_squeeze %dma_wait3A_220 : memref<1x50x64xf32, #tpu.memory_space<hbm>> -> memref<50x64xf32, #tpu.memory_space<hbm>>
    %dma_wait3A_222 = arith.constant 0 : i32
    %dma_wait3A_223 = arith.constant 0 : i32
    %dma_wait3A_224 = tpu.memref_slice %arg6[%dma_wait3A_209, %dma_wait3A_222, %dma_wait3A_223] : memref<8x50x64xf32, #tpu.memory_space<vmem>> -> memref<1x50x64xf32, #tpu.memory_space<vmem>>
    %dma_wait3A_225 = tpu.memref_squeeze %dma_wait3A_224 : memref<1x50x64xf32, #tpu.memory_space<vmem>> -> memref<50x64xf32, #tpu.memory_space<vmem>>
    tpu.wait_dma2 semaphore(%arg22 : memref<!tpu.dma_semaphore, #tpu.memory_space<semaphore_mem>>) src(%dma_wait3A_225 : memref<50x64xf32, #tpu.memory_space<vmem>>) dst(%dma_wait3A_221 : memref<50x64xf32, #tpu.memory_space<hbm>>)
    return
  }
}

</mosaic_0001>

<sc_bundles>
// kernel: kernel.3.cloned.1.call-start
scs
__scs_entry_jumppad:
0x0: {  	(pc) =	sbr.rel $0x88, $3  }
0x1: {  	(tag) =	ssettag $0x0;
	lr =	simm.s32 $0x1  }
0x2: {  	[smem:$0x3F9F] =	sst lr;
	_ =	strace $0xD0000000  }
0x3: {  	_ = 	snop  }
0x4: {  	_ = 	snop  }
0x5: {  	_ = 	snop  }
0x6: {  	_ = 	snop  }
0x7: {  	_ = 	snop  }
__scs_overlays_trampoline_lowered:
0x8: {  	[smem:$0x3FAE] =	sst s0  }
0x9: {  	[smem:$0x3FAF] =	sst s1  }
0xa: {  	[smem:$0x3FB0] =	sst s2  }
0xb: {  	[smem:$0x3FB1] =	sst s3  }
0xc: {  	[smem:$0x3FB2] =	sst s4  }
0xd: {  	[smem:$0x3FB3] =	sst s5  }
0xe: {  	[smem:$0x3FB4] =	sst s6  }
0xf: {  	[smem:$0x3FB5] =	sst s7  }
0x10: {  	[smem:$0x3FB6] =	sst s8  }
0x11: {  	[smem:$0x3FB7] =	sst s9;
	s0 =	simm.s32 @!p0 $0x0  }
0x12: {  	s1 =	sld [smem:$0x3F9D];
	s0 =	simm.s32 @p0 $0x1  }
0x13: {  	[smem:$0x3FB8] =	sst s0;
	s0 =	simm.s32 @!p1 $0x0  }
0x14: {  	s2 =	sld [smem:$0x3F9C];
	s0 =	simm.s32 @p1 $0x1  }
0x15: {  	[smem:$0x3FB9] =	sst s0;
	s0 =	simm.s32 @!p2 $0x0  }
0x16: {  	s3 =	sld [smem:$0x3FDB];
	s0 =	simm.s32 @p2 $0x1  }
0x17: {  	s4 =	simm.s32 $0x1BF5;
	[smem:$0x3FBB] =	sst s0  }
0x18: {  	s0 =	sld [smem:$0x3F9E];
	_ =	swait.ge [sflag:s4], $0x0  }
0x19: {  	s7 =	sld [smem:$0x3F9F]  }
0x1a: {  	s8 =	sadd.s32 $0xFFFFE003, lr  }
0x1b: {  	s9 =	sadd.s32 $0xFFFFFEF7, lr;
	s5 =	simm.s32 $0xFFFFFFFF;
	p2 =	slt.u32 s8, $0xFFFFF086  }
0x1c: {  	p1 =	slt.u32 s9, $0xF7A;
	s5 =	simm.s32 @!p2 $0x0  }
0x1d: {  	s5 =	simm.s32 @p1 $0x1;
	p0 =	seq.s32 s7, s2  }
0x1e: {  	s7 =	smul.u32 @!p0 $0xF7A, s2;
	p2 =	seq.s32 @!p0 s5, $0x0  }
0x1f: {  	s9 =	smul.u32 $0xF7A, s1;
	s8 =	simm.s32 @!p0 $0x1BF5;
	p2 =	por !p2, p0  }
0x20: {  	[sflag:s8] =	ssyncset.s32 @!p0 $0xFFFFF086;
	s6 =	sadd.s32 @!p0 s3, s7;
	s7 =	simm.s32 @!p0 $0x108  }
0x21: {  	s3 =	sadd.s32 s3, s9;
	s6 =	sadd.s32 @!p0 $0x88, s6;
	s7 =	simm.s32 @p2 $0x1082  }
0x22: {  	[simem:s7], [sflag:s8] =	dma.local @!p0 [hbm:s6], $0xF7A  }
0x23: {  	s9 =	sor.u32 $0xD0000000, s2;
	s6 =	simm.s32 $0x108;
	_ =	swait.ge @!p0 [sflag:s8], $0x0  }
0x24: {  	s3 =	sadd.s32 $0x88, s3;
	s6 =	simm.s32 @!p1 $0x1082;
	[sflag:s4] =	ssyncset.s32 $0xFFFFF086  }
0x25: {  	[simem:s6], [sflag:s4] =	dma.local [hbm:s3], $0xF7A  }
0x26: {  	[smem:$0x3F9F] =	sst s1;
	(tag) =	ssettag s2;
	_ =	strace s9  }
0x27: {  	s1 =	sld [smem:$0x3FAF]  }
0x28: {  	s2 =	sld [smem:$0x3FB0]  }
0x29: {  	s4 =	sld [smem:$0x3FB2]  }
0x2a: {  	p0 =	seq.s32 s5, $0x0;
	s5 =	sld [smem:$0x3FB3]  }
0x2b: {  	s6 =	sld [smem:$0x3FB4]  }
0x2c: {  	s7 =	sld [smem:$0x3FB5]  }
0x2d: {  	s3 =	simm.s32 $0x108;
	s8 =	sld [smem:$0x3FB6]  }
0x2e: {  	s3 =	simm.s32 @!p0 $0x1082;
	s9 =	sld [smem:$0x3FB7]  }
0x2f: {  	lr =	sadd.s32 s0, s3;
	s0 =	sld [smem:$0x3FAE]  }
0x30: {  	s3 =	sld [smem:$0x3FB1]  }
0x31: {  	[smem:$0x3FBA] =	sst s10  }
0x32: {  	s10 =	sld [smem:$0x3FB8];
	_ =	sdelay $0x3  }
0x33: {  	p0 =	seq.s32 s10, $0x1;
	s10 =	sld [smem:$0x3FBA];
	_ =	sdelay $0x3  }
0x34: {  	[smem:$0x3FBA] =	sst s10  }
0x35: {  	s10 =	sld [smem:$0x3FB9];
	_ =	sdelay $0x3  }
0x36: {  	p1 =	seq.s32 s10, $0x1;
	s10 =	sld [smem:$0x3FBA];
	_ =	sdelay $0x3  }
0x37: {  	[smem:$0x3FBA] =	sst s10  }
0x38: {  	s10 =	sld [smem:$0x3FBB]  }
0x39: {  	_ = 	snop;
	(pc) =	sbr.ind lr, $3  }
0x3a: {  	_ = 	snop  }
0x3b: {  	_ = 	snop  }
0x3c: {  	p2 =	seq.s32 s10, $0x1;
	s10 =	sld [smem:$0x3FBA]  }
0x3d: {  	_ =	shalt  }
0x3e: {  	_ =	shalt  }
0x3f: {  	_ =	shalt  }
0x40: {  	_ =	shalt  }
0x41: {  	_ =	shalt  }
0x42: {  	_ =	shalt  }
0x43: {  	_ =	shalt  }
0x44: {  	_ =	shalt  }
0x45: {  	_ =	shalt  }
0x46: {  	_ =	shalt  }
0x47: {  	_ =	shalt  }
0x48: {  	_ =	shalt  }
0x49: {  	_ =	shalt  }
0x4a: {  	_ =	shalt  }
0x4b: {  	_ =	shalt  }
0x4c: {  	_ =	shalt  }
0x4d: {  	_ =	shalt  }
0x4e: {  	_ =	shalt  }
0x4f: {  	_ =	shalt  }
0x50: {  	_ =	shalt  }
0x51: {  	_ =	shalt  }
0x52: {  	_ =	shalt  }
0x53: {  	_ =	shalt  }
0x54: {  	_ =	shalt  }
0x55: {  	_ =	shalt  }
0x56: {  	_ =	shalt  }
0x57: {  	_ =	shalt  }
0x58: {  	_ =	shalt  }
0x59: {  	_ =	shalt  }
0x5a: {  	_ =	shalt  }
0x5b: {  	_ =	shalt  }
0x5c: {  	_ =	shalt  }
0x5d: {  	_ =	shalt  }
0x5e: {  	_ =	shalt  }
0x5f: {  	_ =	shalt  }
0x60: {  	_ =	shalt  }
0x61: {  	_ =	shalt  }
0x62: {  	_ =	shalt  }
0x63: {  	_ =	shalt  }
0x64: {  	_ =	shalt  }
0x65: {  	_ =	shalt  }
0x66: {  	_ =	shalt  }
0x67: {  	_ =	shalt  }
0x68: {  	_ =	shalt  }
0x69: {  	_ =	shalt  }
0x6a: {  	_ =	shalt  }
0x6b: {  	_ =	shalt  }
0x6c: {  	_ =	shalt  }
0x6d: {  	_ =	shalt  }
0x6e: {  	_ =	shalt  }
0x6f: {  	_ =	shalt  }
0x70: {  	_ =	shalt  }
0x71: {  	_ =	shalt  }
0x72: {  	_ =	shalt  }
0x73: {  	_ =	shalt  }
0x74: {  	_ =	shalt  }
0x75: {  	_ =	shalt  }
0x76: {  	_ =	shalt  }
0x77: {  	_ =	shalt  }
0x78: {  	_ =	shalt  }
0x79: {  	_ =	shalt  }
0x7a: {  	_ =	shalt  }
0x7b: {  	_ =	shalt  }
0x7c: {  	_ =	shalt  }
0x7d: {  	_ =	shalt  }
0x7e: {  	_ =	shalt  }
0x7f: {  	_ =	shalt  }
0x80: {  	_ =	shalt  }
0x81: {  	_ =	shalt  }
0x82: {  	_ =	shalt  }
0x83: {  	_ =	shalt  }
0x84: {  	_ =	shalt  }
0x85: {  	_ =	shalt  }
0x86: {  	_ =	shalt  }
0x87: {  	_ =	shalt  }
.Lfunc_end0:
.L_simem_size_0:
called_computation.1_lowered:
.L_overlay_start_0:
0x88: {  	s2 =	sld [smem:$0x3FD9]  }
0x89: {  	s3 =	sld [smem:$0x3FFE];
	_ =	sdelay $0x1  }
0x8a: {  	s1 =	srdreg.scid  }
0x8b: {  	s0 =	sand.u32 $0x1, s1  }
0x8c: {  	s16 =	sshll.u32 s0, $0xA;
	s2 =	sadd.s32 s3, s2  }
0x8d: {  	s2 =	sadd.s32 s2, s16  }
0x8e: {  	[smem:$0x3FC6] =	sst s2  }
0x8f: {  	_ = 	snop  }
0x90: {  	(tm) =	ssettm $0x1  }
0x91: {  	s17 =	sld [smem:$0x3FFB];
	_ =	sdelay $0x3  }
0x92: {  	_ =	strace s17  }
0x93: {  	s2 =	sld [smem:$0x3FFC];
	_ =	sdelay $0x3  }
0x94: {  	_ =	strace s2  }
0x95: {  	s2 =	sld [smem:$0x3FFD];
	_ =	sdelay $0x3  }
0x96: {  	_ =	strace s2  }
0x97: {  	_ =	strace $0x8FFFFFFF  }
0x98: {  	s18 =	sld [smem:$0x3FDB];
	_ =	sdelay $0x1  }
0x99: {  	s19 =	simm.s32 $_scs_section_size  }
0x9a: {  	s4 =	simm.s32 $_size__tile_overlayer_lowered;
	s5 =	simm.s32 $_tile_overlayer_lowered  }
0x9b: {  	s22 =	simm.s32 $0x1BFF;
	s21 =	sshll.u32 s5, $0x1;
	s2 =	sadd.s32 s19, s18  }
0x9c: {  	s6 =	simm.s32 $0x0;
	s20 =	sshll.u32 s4, $0x1;
	s4 =	sadd.s32 s21, s2  }
0x9d: {  	[timem:s6], [sflag:s22] =	dma.local [hbm:s4], s20  }
0x9e: {  	_ =	swait.ge [sflag:s22], s20  }
0x9f: {  	s3 =	ssub.s32 $0x0, s20;
	[sflag:s22] =	ssyncset.done $0x0  }
0xa0: {  	[sflag:s22] =	ssyncadd.s32 s3;
	_ =	sdelay $0x1  }
0xa1: {  	s23 =	simm.s32 $0x1B8B  }
0xa2: {  	_ =	swait.ge [sflag:s23], $0x1  }
0xa3: {  	[sflag:s23] =	ssyncset.done $0x0  }
0xa4: {  	s25 =	simm.s32 $0x1B8E;
	s24 =	sld [smem:$0x3FFE];
	[sflag:s23] =	ssyncadd.s32 $0xFFFFFFFF  }
0xa5: {  	s26 =	simm.s32 $execute0_lowered;
	[smem:$0x3FD2] =	sst s25  }
0xa6: {  	s4 =	sshll.u32 s26, $0x1;
	_ =	strace $0x80000046;
	[dreg:$0x1] =	wrdreg $0xFFFFFFFF  }
0xa7: {  	s28 =	simm.s32 $_size_execute0_lowered;
	s2 =	sadd.s32 s2, s4;
	[dreg:$0x0] =	wrdreg $0x0  }
0xa8: {  	s4 =	sshll.u32 s28, $0x1;
	[dreg:$0x2] =	wrdreg s2  }
0xa9: {  	[dreg:$0x3] =	wrdreg s4  }
0xaa: {  	[dreg:$0x4] =	wrdreg $0xC0  }
0xab: {  	_ =	task [dreg:s6], $0x5FFFF  }
0xac: {  	[dreg:$0x1] =	wrdreg $0xFFFFFFFF  }
0xad: {  	[dreg:$0x0] =	wrdreg $0x60  }
0xae: {  	[dreg:$0x2] =	wrdreg s24  }
0xaf: {  	[dreg:$0x3] =	wrdreg $0x9  }
0xb0: {  	_ =	task.clear_ibuf [dreg:s6], $0x4FFFF;
	_ =	strace $0x90000046  }
0xb1: {  	s29 =	simm.s32 $0x9;
	_ =	strace $0x80000048  }
0xb2: {  	_ =	swait.ge [sflag:s29], $0x1  }
0xb3: {  	[sflag:s29] =	ssyncadd.s32 $0xFFFFFFFF  }
0xb4: {  	_ =	strace $0x90000048  }
0xb5: {  	_ =	sfence  }
0xb6: {  	s30 =	sld [smem:$0x0];
	_ =	sdelay $0x2  }
0xb7: {  	s31 =	sshll.u32 s1, $0xD;
	s1 =	sshrl.u32 s1, $0x2  }
0xb8: {  	s3 =	sand.u32 $0x4000, s31;
	s1 =	sadd.s32 s1, s30  }
0xb9: {  	s0 =	sor.u32 s3, s0;
	s1 =	sshll.u32 s1, $0x11  }
0xba: {  	s0 =	sor.u32 s1, s0  }
0xbb: {  	s0 =	sadd.s32 $0x8F2B, s0  }
0xbc: {  	[sflag:s0] =	ssyncadd.remote.s32 $0x1  }
0xbd: {  	_ =	sfence.sel $0xFFFF  }
0xbe: {  	[dreg:$0x0] =	wrdreg $0xFFFFFFFF;
	(pc) =	sbr.abs _section_cstart, $3  }
0xbf: {  	[dreg:$0x1] =	wrdreg $0xFFFFFFFF  }
0xc0: {  	_ =	task.clear_ibuf [dreg:s6], $0x2FFFF;
	_ =	strace $0x9FFFFFFF  }
0xc1: {  	(tm) =	ssettm $0x7FFFFFFF  }
tec
execute0_lowered:
.L_overlay_start_1:
0x0: {  	(tag) =	ssettag $0x1  }
0x1: {  	s0 =	srdreg.scid;
	s7 =	stileid.u32  }
0x2: {  	s2 =	rddreg [dreg:$0x0];
	s4 =	simm.s32 $0x0;
	s9 =	simm.s32 $0x32  }
0x3: {  	s10 =	simm.s32 $0x1C00;
	s12 =	simm.s32 $0x2880;
	s14 =	simm.s32 $0x3500  }
0x4: {  	s16 =	simm.s32 $0x4180;
	s18 =	simm.s32 $0x4E00;
	s20 =	simm.s32 $0x5A80  }
0x5: {  	s22 =	simm.s32 $0x6700;
	s28 =	simm.s32 $0x2;
	s29 =	simm.s32 $0x3  }
0x6: {  	s30 =	simm.s32 $0x4;
	s31 =	simm.s32 $0x5;
	s11 =	simm.s32 $0x8  }
0x7: {  	s0 =	sand.u32 $0x1, s0;
	s1 =	sshll.u32 s7, $0x1;
	s24 =	smul.u32 $0x38000, s7  }
0x8: {  	s1 =	sor.u32 s0, s1;
	s5 =	ssub.s32 $0x2, s0;
	s0 =	smul.u32 $0x1C000, s0  }
0x9: {  	[smem:$0x7FF] =	sst s4;
	s3 =	smul.u32 $0x380, s1;
	s6 =	sshrl.u32 s5, $0x1  }
0xa: {  	_ =	strace $0x80000047;
	s1 =	smul.u32 $0x1C000, s1;
	s5 =	ssub.s32 s5, s6  }
0xb: {  	s6 =	simm.s32 $0x0;
	s23 =	sadd.s32 s3, s2;
	s3 =	sadd.s32 $0x7800, s2  }
0xc: {  	s2 =	sadd.s32 $0x18E200, s2;
	s25 =	smax.u32 s5, $0x1;
	s5 =	simm.s32 $0x10  }
0xd: {  	s4 =	sadd.s32 $0x800, s23;
	s1 =	sadd.s32 s1, s2;
	[dreg:$0x4] =	wrdreg s25  }
.Ltmp0:
0xe: {  	s26 =	sadd.s32 s24, s2;
	s23 =	simm.s32 $0x1;
	(pc) =	sbr.rel .LBB2_1-.Ltmp0, $4  }
0xf: {  	s24 =	simm.s32 $0x40;
	s25 =	simm.s32 $0x80;
	s2 =	simm.s32 $0xE  }
0x10: {  	[dreg:$0x2] =	wrdreg s4;
	s1 =	sadd.s32 $0x1BC80, s1;
	s0 =	sadd.s32 s0, s26  }
0x11: {  	s26 =	simm.s32 $0x7380;
	s4 =	simm.s32 $0xF;
	[dreg:$0x3] =	wrdreg s1  }
0x12: {  	[dreg:$0x5] =	wrdreg s0;
	s1 =	simm.s32 $0x6;
	s0 =	simm.s32 $0x7  }
.LBB2_4:
0x13: {  	_ =	swait.ge [sflag:s11], $0xC80  }
0x14: {  	[sflag:s11] =	ssyncset.done $0x0  }
0x15: {  	s8 =	simm.s32 $0x9;
	s7 =	rddreg [dreg:$0x3];
	[sflag:s11] =	ssyncadd.s32 $0xFFFFF380  }
0x16: {  	[hbm4b:s7+s24] =	stream.strided.scatter [tilespmem:s26], [sflag:$0x10], $0xC80, s25, s24, $0x38;
	[tilespmem:$0x8000] =	vst v63  }
0x17: {  	_ =	swait.ge [sflag:s8], $0xC80  }
0x18: {  	[sflag:s8] =	ssyncset.done $0x0  }
0x19: {  	s13 =	simm.s32 $0xA;
	[sflag:s8] =	ssyncadd.s32 $0xFFFFF380  }
0x1a: {  	_ =	swait.ge [sflag:s13], $0xC80  }
0x1b: {  	[sflag:s13] =	ssyncset.done $0x0  }
0x1c: {  	s15 =	simm.s32 $0xB;
	[sflag:s13] =	ssyncadd.s32 $0xFFFFF380  }
0x1d: {  	_ =	swait.ge [sflag:s15], $0xC80  }
0x1e: {  	[sflag:s15] =	ssyncset.done $0x0  }
0x1f: {  	s17 =	simm.s32 $0xC;
	[sflag:s15] =	ssyncadd.s32 $0xFFFFF380  }
0x20: {  	_ =	swait.ge [sflag:s17], $0xC80  }
0x21: {  	[sflag:s17] =	ssyncset.done $0x0  }
0x22: {  	s19 =	simm.s32 $0xD;
	[sflag:s17] =	ssyncadd.s32 $0xFFFFF380  }
0x23: {  	_ =	swait.ge [sflag:s19], $0xC80  }
0x24: {  	[sflag:s19] =	ssyncset.done $0x0  }
0x25: {  	[sflag:s19] =	ssyncadd.s32 $0xFFFFF380  }
0x26: {  	_ =	swait.ge [sflag:s2], $0xC80  }
0x27: {  	[sflag:s2] =	ssyncset.done $0x0  }
0x28: {  	[sflag:s2] =	ssyncadd.s32 $0xFFFFF380  }
0x29: {  	_ =	swait.ge [sflag:s4], $0xC80  }
0x2a: {  	[sflag:s4] =	ssyncset.done $0x0  }
0x2b: {  	[sflag:s4] =	ssyncadd.s32 $0xFFFFF380  }
0x2c: {  	_ =	swait.ge [sflag:s5], $0xC80  }
0x2d: {  	s6 =	sadd.s32 $0x1, s6;
	s21 =	rddreg [dreg:$0x4]  }
0x2e: {  	p0 =	sne.s32 s6, s21  }
.Ltmp1:
0x2f: {  	_ = 	snop;
	(pc) =	sbr.rel @!p0 .LBB2_5-.Ltmp1, $3  }
0x30: {  	_ =	sdelay $0x1  }
0x31: {  	[sflag:s5] =	ssyncset.done $0x0  }
0x32: {  	[sflag:s5] =	ssyncadd.s32 $0xFFFFF380  }
.LBB2_1:
0x33: {  	s7 =	simm.s32 $0x0;
	s8 =	rddreg [dreg:$0x2];
	s21 =	simm.s32 $0x11  }
0x34: {  	[tilespmem:s7], [sflag:$0x11] =	stream.linear.gather [hbm4b:s8+s7], $0x1C00, $0x38;
	[tilespmem:$0x8000] =	vst v63  }
0x35: {  	_ =	swait.ge [sflag:s21], $0x1C00  }
0x36: {  	[sflag:s21] =	ssyncset.done $0x0  }
0x37: {  	[sflag:s21] =	ssyncadd.s32 $0xFFFFE400  }
0x38: {  	[tilespmem:s10], [sflag:$0x1] =	stream.indirect.gather [hbm4b:s3+s9], $0x40, s7, s9, $0xb8;
	[tilespmem:$0x8000] =	vst v63  }
0x39: {  	s8 =	simm.s32 $0x38  }
0x3a: {  	[tilespmem:s12], [sflag:$0x2] =	stream.indirect.gather [hbm4b:s3+s9], $0x40, s8, s9, $0xb8;
	[tilespmem:$0x8000] =	vst v63  }
0x3b: {  	s13 =	simm.s32 $0x70  }
0x3c: {  	[tilespmem:s14], [sflag:$0x3] =	stream.indirect.gather [hbm4b:s3+s9], $0x40, s13, s9, $0xb8;
	[tilespmem:$0x8000] =	vst v63  }
0x3d: {  	s15 =	simm.s32 $0xA8  }
0x3e: {  	[tilespmem:s16], [sflag:$0x4] =	stream.indirect.gather [hbm4b:s3+s9], $0x40, s15, s9, $0xb8;
	[tilespmem:$0x8000] =	vst v63  }
0x3f: {  	s17 =	simm.s32 $0xE0  }
0x40: {  	[tilespmem:s18], [sflag:$0x5] =	stream.indirect.gather [hbm4b:s3+s9], $0x40, s17, s9, $0xb8;
	[tilespmem:$0x8000] =	vst v63  }
0x41: {  	s19 =	simm.s32 $0x118  }
0x42: {  	[tilespmem:s20], [sflag:$0x6] =	stream.indirect.gather [hbm4b:s3+s9], $0x40, s19, s9, $0xb8;
	[tilespmem:$0x8000] =	vst v63  }
0x43: {  	s21 =	simm.s32 $0x150;
	s7 =	rddreg [dreg:$0x5];
	s8 =	simm.s32 $0x0  }
0x44: {  	[tilespmem:s22], [sflag:$0x7] =	stream.indirect.gather [hbm4b:s3+s9], $0x40, s21, s9, $0xb8;
	[tilespmem:$0x8000] =	vst v63  }
.LBB2_2:
0x45: {  	_ =	swait.ge [sflag:s23], $0xC80  }
0x46: {  	p0 =	seq.s32 s8, $0x0;
	[sflag:s23] =	ssyncset.done $0x0  }
0x47: {  	s15 =	simm.s32 @!p0 $0x10;
	[sflag:s23] =	ssyncadd.s32 $0xFFFFF380  }
0x48: {  	[hbm4b:s7+s24] =	stream.strided.scatter [tilespmem:s10], [sflag:$0x9], $0xC80, s25, s24, $0x38;
	[tilespmem:$0x8000] =	vst v63  }
0x49: {  	_ =	swait.ge @!p0 [sflag:s15], $0xC80  }
0x4a: {  	s13 =	sshra.s32 s8, $0x2;
	[sflag:s15] =	ssyncset.done @!p0 $0x0  }
0x4b: {  	s17 =	sadd.s32 $0x188, s13;
	[sflag:s15] =	ssyncadd.s32 @!p0 $0xFFFFF380  }
0x4c: {  	[tilespmem:s26], [sflag:$0x8] =	stream.indirect.gather [hbm4b:s3+s9], $0x40, s17, s9, $0xb8;
	[tilespmem:$0x8000] =	vst v63  }
0x4d: {  	_ =	swait.ge [sflag:s28], $0xC80  }
0x4e: {  	p0 =	seq.s32 s8, $0x6900;
	[sflag:s28] =	ssyncset.done $0x0  }
0x4f: {  	s19 =	sadd.s32 $0x380, s7;
	s15 =	simm.s32 @!p0 $0x9;
	[sflag:s28] =	ssyncadd.s32 $0xFFFFF380  }
0x50: {  	[hbm4b:s19+s24] =	stream.strided.scatter [tilespmem:s12], [sflag:$0xA], $0xC80, s25, s24, $0x38;
	[tilespmem:$0x8000] =	vst v63  }
0x51: {  	_ =	swait.ge @!p0 [sflag:s15], $0xC80  }
0x52: {  	[sflag:s15] =	ssyncset.done @!p0 $0x0  }
0x53: {  	[sflag:s15] =	ssyncadd.s32 @!p0 $0xFFFFF380;
	s15 =	sshra.s32 @!p0 s8, $0x2  }
0x54: {  	s21 =	simm.s32 @!p0 $0x1C00;
	s19 =	simm.s32 @!p0 $0x32;
	s17 =	sadd.s32 @!p0 $0x1C0, s15  }
0x55: {  	[tilespmem:s21], [sflag:$0x1] =	stream.indirect.gather @!p0 [hbm4b:s3+s19], $0x40, s17, s19, $0xb8;
	[tilespmem:$0x8000] =	vst v63  }
0x56: {  	_ =	swait.ge [sflag:s29], $0xC80  }
0x57: {  	[sflag:s29] =	ssyncset.done $0x0  }
0x58: {  	s21 =	sadd.s32 $0x700, s7;
	s17 =	simm.s32 @!p0 $0xA;
	[sflag:s29] =	ssyncadd.s32 $0xFFFFF380  }
0x59: {  	[hbm4b:s21+s24] =	stream.strided.scatter [tilespmem:s14], [sflag:$0xB], $0xC80, s25, s24, $0x38;
	[tilespmem:$0x8000] =	vst v63  }
0x5a: {  	_ =	swait.ge @!p0 [sflag:s17], $0xC80  }
0x5b: {  	[sflag:s17] =	ssyncset.done @!p0 $0x0  }
0x5c: {  	s21 =	simm.s32 @!p0 $0x2880;
	[sflag:s17] =	ssyncadd.s32 @!p0 $0xFFFFF380;
	s17 =	sadd.s32 @!p0 $0x1F8, s15  }
0x5d: {  	[tilespmem:s21], [sflag:$0x2] =	stream.indirect.gather @!p0 [hbm4b:s3+s19], $0x40, s17, s19, $0xb8;
	[tilespmem:$0x8000] =	vst v63  }
0x5e: {  	_ =	swait.ge [sflag:s30], $0xC80  }
0x5f: {  	[sflag:s30] =	ssyncset.done $0x0  }
0x60: {  	s21 =	sadd.s32 $0xA80, s7;
	s17 =	simm.s32 @!p0 $0xB;
	[sflag:s30] =	ssyncadd.s32 $0xFFFFF380  }
0x61: {  	[hbm4b:s21+s24] =	stream.strided.scatter [tilespmem:s16], [sflag:$0xC], $0xC80, s25, s24, $0x38;
	[tilespmem:$0x8000] =	vst v63  }
0x62: {  	_ =	swait.ge @!p0 [sflag:s17], $0xC80  }
0x63: {  	[sflag:s17] =	ssyncset.done @!p0 $0x0  }
0x64: {  	s21 =	simm.s32 @!p0 $0x3500;
	[sflag:s17] =	ssyncadd.s32 @!p0 $0xFFFFF380;
	s17 =	sadd.s32 @!p0 $0x230, s15  }
0x65: {  	[tilespmem:s21], [sflag:$0x3] =	stream.indirect.gather @!p0 [hbm4b:s3+s19], $0x40, s17, s19, $0xb8;
	[tilespmem:$0x8000] =	vst v63  }
0x66: {  	_ =	swait.ge [sflag:s31], $0xC80  }
0x67: {  	[sflag:s31] =	ssyncset.done $0x0  }
0x68: {  	s21 =	sadd.s32 $0xE00, s7;
	s17 =	simm.s32 @!p0 $0xC;
	[sflag:s31] =	ssyncadd.s32 $0xFFFFF380  }
0x69: {  	[hbm4b:s21+s24] =	stream.strided.scatter [tilespmem:s18], [sflag:$0xD], $0xC80, s25, s24, $0x38;
	[tilespmem:$0x8000] =	vst v63  }
0x6a: {  	_ =	swait.ge @!p0 [sflag:s17], $0xC80  }
0x6b: {  	[sflag:s17] =	ssyncset.done @!p0 $0x0  }
0x6c: {  	s21 =	simm.s32 @!p0 $0x4180;
	[sflag:s17] =	ssyncadd.s32 @!p0 $0xFFFFF380;
	s17 =	sadd.s32 @!p0 $0x268, s15  }
0x6d: {  	[tilespmem:s21], [sflag:$0x4] =	stream.indirect.gather @!p0 [hbm4b:s3+s19], $0x40, s17, s19, $0xb8;
	[tilespmem:$0x8000] =	vst v63  }
0x6e: {  	_ =	swait.ge [sflag:s1], $0xC80  }
0x6f: {  	[sflag:s1] =	ssyncset.done $0x0  }
0x70: {  	s21 =	sadd.s32 $0x1180, s7;
	s17 =	simm.s32 @!p0 $0xD;
	[sflag:s1] =	ssyncadd.s32 $0xFFFFF380  }
0x71: {  	[hbm4b:s21+s24] =	stream.strided.scatter [tilespmem:s20], [sflag:$0xE], $0xC80, s25, s24, $0x38;
	[tilespmem:$0x8000] =	vst v63  }
0x72: {  	_ =	swait.ge @!p0 [sflag:s17], $0xC80  }
0x73: {  	[sflag:s17] =	ssyncset.done @!p0 $0x0  }
0x74: {  	s15 =	sadd.s32 @!p0 $0x2A0, s15;
	[sflag:s17] =	ssyncadd.s32 @!p0 $0xFFFFF380;
	s17 =	simm.s32 @!p0 $0x4E00  }
0x75: {  	[tilespmem:s17], [sflag:$0x5] =	stream.indirect.gather @!p0 [hbm4b:s3+s19], $0x40, s15, s19, $0xb8;
	[tilespmem:$0x8000] =	vst v63  }
.Ltmp2:
0x76: {  	_ = 	snop;
	(pc) =	sbr.rel @p0 .LBB2_4-.Ltmp2, $4  }
0x77: {  	_ =	swait.ge [sflag:s0], $0xC80  }
0x78: {  	[sflag:s0] =	ssyncset.done $0x0  }
0x79: {  	s21 =	sadd.s32 $0x1500, s7;
	[sflag:s0] =	ssyncadd.s32 $0xFFFFF380  }
0x7a: {  	[hbm4b:s21+s24] =	stream.strided.scatter [tilespmem:s22], [sflag:$0xF], $0xC80, s25, s24, $0x38;
	[tilespmem:$0x8000] =	vst v63  }
0x7b: {  	_ =	swait.ge [sflag:s2], $0xC80  }
0x7c: {  	[sflag:s2] =	ssyncset.done $0x0  }
0x7d: {  	s15 =	sadd.s32 $0x2D8, s13;
	[sflag:s2] =	ssyncadd.s32 $0xFFFFF380  }
0x7e: {  	[tilespmem:s20], [sflag:$0x6] =	stream.indirect.gather [hbm4b:s3+s9], $0x40, s15, s9, $0xb8;
	[tilespmem:$0x8000] =	vst v63  }
0x7f: {  	_ =	swait.ge [sflag:s11], $0xC80  }
0x80: {  	[sflag:s11] =	ssyncset.done $0x0  }
0x81: {  	s19 =	sadd.s32 $0x1880, s7;
	[sflag:s11] =	ssyncadd.s32 $0xFFFFF380  }
0x82: {  	[hbm4b:s19+s24] =	stream.strided.scatter [tilespmem:s26], [sflag:$0x10], $0xC80, s25, s24, $0x38;
	[tilespmem:$0x8000] =	vst v63  }
.Ltmp3:
0x83: {  	_ = 	snop;
	(pc) =	sbr.rel .LBB2_2-.Ltmp3, $4  }
0x84: {  	_ =	swait.ge [sflag:s4], $0xC80  }
0x85: {  	s21 =	sadd.s32 $0x310, s13;
	[sflag:s4] =	ssyncset.done $0x0  }
0x86: {  	s8 =	sadd.s32 $0x700, s8;
	s7 =	sadd.s32 $0x1C00, s7;
	[sflag:s4] =	ssyncadd.s32 $0xFFFFF380  }
0x87: {  	[tilespmem:s22], [sflag:$0x7] =	stream.indirect.gather [hbm4b:s3+s9], $0x40, s21, s9, $0xb8;
	[tilespmem:$0x8000] =	vst v63  }
.LBB2_5:
0x88: {  	_ =	sfence.sel $0x180000  }
0x89: {  	[bflag:$0x0] =	sbarrier.arrive $0xFFFF  }
0x8a: {  	_ =	strace $0x90000047  }
0x8b: {  	s0 =	stileid.u32;
	[bflag:$0x2] =	sbarrier.arrive $0xFFFF  }
0x8c: {  	p0 =	sne.s32 s0, $0x0;
	s0 =	rddreg [dreg:$0x1]  }
0x8d: {  	s0 =	sadd.s32 @!p0 $0x100000, s0  }
0x8e: {  	[sflag:s0] =	ssyncadd.tile.s32 @!p0 $0x1;
	_ =	shalt  }
.Lfunc_end2:
_tile_overlayer_lowered:
.L_overlay_start_2:
0x8f: {  	(tag) =	ssettag $0x2  }
0x90: {  	s0 =	rddreg [dreg:$0x0];
	s2 =	stileid.u32  }
0x91: {  	s1 =	rddreg [dreg:$0x1];
	p0 =	sne.s32 s2, $0x0  }
0x92: {  	s3 =	rddreg [dreg:$0x2];
	[bflag:$0x3] =	sbarrier.arrive $0xFFFF;
	s2 =	simm.s32 @!p0 $0x1C11  }
0x93: {  	[timem:s3], [sflag:s2] =	dma.local @!p0 [hbm:s0], s1  }
0x94: {  	s0 =	simm.s32 @!p0 $0x11  }
0x95: {  	_ =	swait.ge @!p0 [sflag:s0], s1  }
0x96: {  	s1 =	ssub.s32 @!p0 $0x0, s1;
	[sflag:s0] =	ssyncset.done @!p0 $0x0  }
0x97: {  	[sflag:s0] =	ssyncadd.s32 @!p0 s1  }
0x98: {  	[bflag:$0x3] =	sbarrier.arrive $0xFFFF  }
0x99: {  	_ =	shalt  }

// kernel: sparse-core-data-format-call.cloned.1.call-start
scs
called_computation_lowered:
.L_overlay_start_0:
0x0: {  	s2 =	sld [smem:$0x3FD9]  }
0x1: {  	s3 =	sld [smem:$0x3FFE];
	_ =	sdelay $0x1  }
0x2: {  	s1 =	srdreg.scid  }
0x3: {  	s0 =	sand.u32 $0x1, s1  }
0x4: {  	s18 =	sshll.u32 s0, $0xA;
	s2 =	sadd.s32 s3, s2  }
0x5: {  	s2 =	sadd.s32 s2, s18  }
0x6: {  	[smem:$0x3FC6] =	sst s2  }
0x7: {  	_ = 	snop  }
0x8: {  	s2 =	sld [smem:$0x3FD0];
	(tm) =	ssettm $0x1  }
0x9: {  	s19 =	sld [smem:$0x3FFB];
	_ =	sdelay $0x3  }
0xa: {  	_ =	strace s19  }
0xb: {  	s3 =	sld [smem:$0x3FFC];
	_ =	sdelay $0x3  }
0xc: {  	_ =	strace s3  }
0xd: {  	s3 =	sld [smem:$0x3FFD];
	_ =	sdelay $0x3  }
0xe: {  	_ =	strace s3  }
0xf: {  	_ =	strace $0x8FFFFFFF  }
0x10: {  	s20 =	sld [smem:$0x3FDB];
	_ =	sdelay $0x1  }
0x11: {  	s4 =	simm.s32 $_scs_section_size  }
0x12: {  	s5 =	simm.s32 $_size__tile_overlayer_lowered;
	s6 =	simm.s32 $_tile_overlayer_lowered  }
0x13: {  	s23 =	simm.s32 $0x1BFF;
	s22 =	sshll.u32 s6, $0x1;
	s3 =	sadd.s32 s4, s20  }
0x14: {  	s7 =	simm.s32 $0x0;
	s21 =	sshll.u32 s5, $0x1;
	s5 =	sadd.s32 s22, s3  }
0x15: {  	[timem:s7], [sflag:s23] =	dma.local [hbm:s5], s21  }
0x16: {  	_ =	swait.ge [sflag:s23], s21  }
0x17: {  	s4 =	ssub.s32 $0x0, s21;
	[sflag:s23] =	ssyncset.done $0x0  }
0x18: {  	[sflag:s23] =	ssyncadd.s32 s4;
	_ =	sdelay $0x1  }
0x19: {  	s24 =	simm.s32 $0x1B8B  }
0x1a: {  	_ =	swait.ge [sflag:s24], $0x1  }
0x1b: {  	[sflag:s24] =	ssyncset.done $0x0  }
0x1c: {  	s26 =	simm.s32 $0x1B8E;
	s25 =	sld [smem:$0x3FFE];
	[sflag:s24] =	ssyncadd.s32 $0xFFFFFFFF  }
0x1d: {  	s27 =	simm.s32 $execute0_lowered;
	[smem:$0x3FD2] =	sst s26  }
0x1e: {  	s5 =	sshll.u32 s27, $0x1;
	_ =	strace $0x80000049;
	[dreg:$0x1] =	wrdreg $0xFFFFFFFF  }
0x1f: {  	s28 =	simm.s32 $_size_execute0_lowered;
	s3 =	sadd.s32 s3, s5;
	[dreg:$0x0] =	wrdreg $0x0  }
0x20: {  	s5 =	sshll.u32 s28, $0x1;
	[dreg:$0x2] =	wrdreg s3  }
0x21: {  	[dreg:$0x3] =	wrdreg s5  }
0x22: {  	[dreg:$0x4] =	wrdreg $0xC0  }
0x23: {  	_ =	task [dreg:s7], $0x5FFFF  }
0x24: {  	[dreg:$0x1] =	wrdreg $0xFFFFFFFF  }
0x25: {  	[dreg:$0x0] =	wrdreg $0x60  }
0x26: {  	[dreg:$0x2] =	wrdreg s25  }
0x27: {  	[dreg:$0x3] =	wrdreg s2  }
0x28: {  	[dreg:$0x4] =	wrdreg $0x9  }
0x29: {  	_ =	task.clear_ibuf [dreg:s7], $0x5FFFF;
	_ =	strace $0x90000049  }
0x2a: {  	s29 =	simm.s32 $0x9;
	_ =	strace $0x8000004B  }
0x2b: {  	_ =	swait.ge [sflag:s29], $0x1  }
0x2c: {  	[sflag:s29] =	ssyncadd.s32 $0xFFFFFFFF  }
0x2d: {  	_ =	strace $0x9000004B  }
0x2e: {  	_ =	sfence  }
0x2f: {  	s30 =	sld [smem:$0x0];
	_ =	sdelay $0x2  }
0x30: {  	s31 =	sshll.u32 s1, $0xD;
	s1 =	sshrl.u32 s1, $0x2  }
0x31: {  	s3 =	sand.u32 $0x4000, s31;
	s1 =	sadd.s32 s1, s30  }
0x32: {  	s0 =	sor.u32 s3, s0;
	s1 =	sshll.u32 s1, $0x11  }
0x33: {  	s0 =	sor.u32 s1, s0  }
0x34: {  	s0 =	sadd.s32 $0x8F2B, s0  }
0x35: {  	[sflag:s0] =	ssyncadd.remote.s32 $0x1  }
0x36: {  	_ =	sfence.sel $0xFFFF  }
0x37: {  	[dreg:$0x0] =	wrdreg $0xFFFFFFFF;
	(pc) =	sbr.abs _section_cstart, $3  }
0x38: {  	[dreg:$0x1] =	wrdreg $0xFFFFFFFF  }
0x39: {  	_ =	task.clear_ibuf [dreg:s7], $0x2FFFF;
	_ =	strace $0x9FFFFFFF  }
0x3a: {  	(tm) =	ssettm $0x7FFFFFFF  }
0x3b: {  	_ =	shalt  }
tec
execute0_lowered:
.L_overlay_start_1:
0x0: {  	(tag) =	ssettag $0x1  }
0x1: {  	s0 =	srdreg.scid  }
0x2: {  	s1 =	sshll.u32 s0, $0x4  }
0x3: {  	s0 =	stileid.u32;
	s1 =	sand.u32 $0x10, s1  }
0x4: {  	s1 =	sor.u32 s0, s1  }
0x5: {  	s6 =	rddreg [dreg:$0x0];
	s4 =	simm.s32 $0x1;
	s2 =	sshll.u32 s1, $0x7  }
0x6: {  	s7 =	simm.s32 $0x2;
	s12 =	simm.s32 $0x0;
	s1 =	ssub.s32 $0x1000, s2  }
0x7: {  	s8 =	simm.s32 $0x8000;
	s13 =	simm.s32 $0x0;
	s3 =	sand.u32 $0xF80, s1  }
0x8: {  	s9 =	simm.s32 $0x0;
	s5 =	sshrl.u32 s1, $0xC;
	p0 =	sne.s32 s3, $0x0  }
.Ltmp0:
0x9: {  	s1 =	rddreg [dreg:$0x2];
	s4 =	simm.s32 @!p0 $0x0;
	(pc) =	sbr.rel .LBB1_1-.Ltmp0, $4  }
0xa: {  	s11 =	simm.s32 $0x0;
	s3 =	rddreg [dreg:$0x1];
	s5 =	sadd.s32 s4, s5  }
0xb: {  	_ =	strace $0x8000004A;
	s4 =	simm.s32 $0x1;
	s5 =	smul.u32 $0x32, s5  }
0xc: {  	s6 =	sadd.s32 $0x18E200, s6;
	s10 =	smov.u32 s2;
	[sflag:s4] =	ssyncpa.u1 $0x0  }
0xd: {  	p0 =	por $0x0, $0x0;
	[sflag:s7] =	ssyncpa.u1 $0x0;
	s7 =	sor.u32 $0x1, s5  }
.LBB1_4:
0xe: {  	s16 =	sshll.u32 s13, $0x3;
	s17 =	sand.u32 $0x78, s13  }
0xf: {  	s30 =	sand.u32 $0x7E00, s13;
	s12 =	sshll.u32 s12, $0xF;
	s16 =	sand.u32 $0xC00, s16  }
0x10: {  	[tilespmem:s15+$0x810 ss:$0x81] =	vst.msk $0xffff, v2;
	s31 =	sand.u32 $0x7, s13;
	s16 =	sor.u32 s17, s16;
	s17 =	sadd.s32 s3, s30  }
0x11: {  	[tilespmem:s15+$0x1020 ss:$0x81] =	vst.msk $0xffff, v0;
	s13 =	sshll.u32 s31, $0x12;
	s12 =	sadd.s32 s12, s17;
	s16 =	sshrl.u32 s16, $0x3  }
0x12: {  	[tilespmem:s15+$0x0 ss:$0x81] =	vst.msk $0xffff, v1;
	s13 =	sor.u32 $0x400, s13;
	s12 =	sadd.s32 s16, s12  }
0x13: {  	[hbm4b:s12+s13] =	stream.strided.scatter [tilespmem:s14], [sflag:$0x2], $0x2000, s8, s13, $0x20;
	[tilespmem:$0x8080] =	vst v63  }
.LBB1_5:
0x14: {  	s14 =	sadd.s32 $0x1, s9  }
0x15: {  	s12 =	sadd.s32 $0x1000, s10;
	s16 =	smov.u32 s10;
	p2 =	sgt.s32 s14, $0x31  }
0x16: {  	s16 =	smov.u32 @p2 s12  }
0x17: {  	s14 =	simm.s32 @p2 $0x0;
	p2 =	sgt.s32 s16, $0xFFF  }
0x18: {  	s16 =	smov.u32 @p2 s2;
	p2 =	sne.s32 s11, s7  }
.Ltmp1:
0x19: {  	p1 =	slt.u32 s11, $0x2;
	(pc) =	sbr.rel @!p2 .LBB1_6-.Ltmp1, $4  }
0x1a: {  	s15 =	simm.s32 @!p1 $0x2  }
0x1b: {  	s13 =	smov.u32 s10;
	p0 =	por !p0, !p0;
	_ =	swait.ge @!p1 [sflag:s15], $0x2000  }
0x1c: {  	s12 =	smov.u32 s9;
	[sflag:s15] =	ssyncset.done @!p1 $0x0;
	s9 =	smov.u32 s14  }
0x1d: {  	s11 =	sadd.s32 $0x1, s11;
	[sflag:s15] =	ssyncadd.s32 @!p1 $0xFFFFE000;
	s10 =	smov.u32 s16  }
.LBB1_1:
0x1e: {  	p1 =	sge.u32 s11, s5  }
0x1f: {  	s14 =	sand.u32 @!p1 $0x1FFFFFF, s9  }
0x20: {  	s15 =	smulhi.u32 @!p1 $0x4924925, s14;
	_ =	sdelay $0x1  }
0x21: {  	s15 =	smul.u32 @!p1 $0x38, s15  }
0x22: {  	s16 =	sxor.u32 @!p1 $0xFFFFFFFF, s11;
	s17 =	smul.u32 @!p1 $0x380, s10  }
0x23: {  	s31 =	sadd.s32 $0xFFFFFFFF, s11;
	s16 =	sshll.u32 @!p1 s16, $0xD;
	s14 =	ssub.s32 @!p1 s14, s15  }
0x24: {  	s15 =	sand.u32 @!p1 $0x2000, s16;
	s16 =	sadd.s32 @!p1 s6, s17;
	s14 =	sshll.u32 @!p1 s14, $0x4  }
0x25: {  	s17 =	simm.s32 @!p1 $0x1C00;
	s14 =	sadd.s32 @!p1 s14, s16;
	s16 =	simm.s32 @!p1 $0x40  }
0x26: {  	[tilespmem:s15], [sflag:$0x1] =	stream.strided.gather @!p1 [hbm4b:s14+s16], $0x2000, s17, s16, $0x38;
	[tilespmem:$0x8080] =	vst v63  }
0x27: {  	p1 =	sge.u32 s31, s5  }
.Ltmp2:
0x28: {  	_ = 	snop;
	(pc) =	sbr.rel @p1 .LBB1_5-.Ltmp2, $1  }
0x29: {  	_ =	sdelay $0x3  }
0x2a: {  	s14 =	simm.s32 $0x1  }
0x2b: {  	_ =	swait.ge [sflag:s4], $0x2000;
	s14 =	simm.s32 @!p0 $0x0  }
0x2c: {  	[sflag:s4] =	ssyncset.done $0x0;
	s15 =	sshll.u32 s14, $0xD  }
0x2d: {  	[sflag:s4] =	ssyncadd.s32 $0xFFFFE000;
	s18 =	sor.u32 $0x20, s15  }
0x2e: {  	s14 =	smul.u32 $0x8100, s14;
	v3 =	vld [tilespmem:s18+$0x10]  }
0x2f: {  	s30 =	sand.u32 $0x1, s11;
	v2 =	vld [tilespmem:s18+$0xFFFFFFF0]  }
0x30: {  	s15 =	smul.u32 $0x8100, s30;
	s14 =	sshrl.u32 s14, $0x2;
	v0 =	vld [tilespmem:s18+$0x0]  }
0x31: {  	v1 =	vld [tilespmem:s18+$0xFFFFFFE0];
	s16 =	sor.u32 $0x4000, s14  }
0x32: {  	s31 =	sshrl.u32 s15, $0x2;
	s15 =	sadd.s32 $0x0, s16  }
0x33: {  	s17 =	simm.s32 $0x4;
	s18 =	sadd.s32 $0x40, s18;
	s14 =	sor.u32 $0x4000, s31;
	[tilespmem:s15+$0x1830 ss:$0x81] =	vst.msk $0xffff, v3  }
.LBB1_3:
0x34: {  	v3 =	vld [tilespmem:s18+$0x10];
	p1 =	sne.s32 s17, $0x1FC;
	[tilespmem:s15+$0x810 ss:$0x81] =	vst.msk $0xffff, v2;
	s19 =	smov.u32 s17;
	s17 =	sadd.s32 $0x4, s17  }
.Ltmp3:
0x35: {  	v2 =	vld [tilespmem:s18+$0xFFFFFFF0];
	[tilespmem:s15+$0x1020 ss:$0x81] =	vst.msk $0xffff, v0;
	(pc) =	sbr.rel @p1 .LBB1_3-.Ltmp3, $4  }
0x36: {  	v0 =	vld [tilespmem:s18+$0x0];
	[tilespmem:s15+$0x0 ss:$0x81] =	vst.msk $0xffff, v1  }
0x37: {  	s15 =	sshra.s32 s19, $0x2;
	v1 =	vld [tilespmem:s18+$0xFFFFFFE0]  }
0x38: {  	s15 =	sadd.s32 s15, s16  }
0x39: {  	s18 =	sadd.s32 $0x40, s18;
	[tilespmem:s15+$0x1830 ss:$0x81] =	vst.msk $0xffff, v3  }
.Ltmp4:
0x3a: {  	_ = 	snop;
	(pc) =	sbr.rel .LBB1_4-.Ltmp4, $1  }
0x3b: {  	_ =	sdelay $0x3  }
.LBB1_6:
0x3c: {  	_ =	sfence.sel $0x180000  }
0x3d: {  	s2 =	simm.s32 $0x1;
	[bflag:$0x0] =	sbarrier.arrive $0xFFFF  }
0x3e: {  	s31 =	simm.s32 $0x2;
	[sflag:s2] =	ssyncpa.u1 $0x1  }
0x3f: {  	[sflag:s31] =	ssyncpa.u1 $0x1  }
0x40: {  	p0 =	sne.s32 s0, $0x0;
	_ =	strace $0x9000004A  }
0x41: {  	s0 =	sadd.s32 @!p0 $0x100000, s1;
	[bflag:$0x2] =	sbarrier.arrive $0xFFFF  }
0x42: {  	[sflag:s0] =	ssyncadd.tile.s32 @!p0 $0x1;
	_ =	shalt  }
.Lfunc_end1:
_tile_overlayer_lowered:
.L_overlay_start_2:
0x43: {  	(tag) =	ssettag $0x2  }
0x44: {  	s0 =	rddreg [dreg:$0x0];
	s2 =	stileid.u32  }
0x45: {  	s1 =	rddreg [dreg:$0x1];
	p0 =	sne.s32 s2, $0x0  }
0x46: {  	s3 =	rddreg [dreg:$0x2];
	[bflag:$0x3] =	sbarrier.arrive $0xFFFF;
	s2 =	simm.s32 @!p0 $0x1C01  }
0x47: {  	[timem:s3], [sflag:s2] =	dma.local @!p0 [hbm:s0], s1  }
0x48: {  	s0 =	simm.s32 @!p0 $0x1  }
0x49: {  	_ =	swait.ge @!p0 [sflag:s0], s1  }
0x4a: {  	s1 =	ssub.s32 @!p0 $0x0, s1;
	[sflag:s0] =	ssyncset.done @!p0 $0x0  }
0x4b: {  	[sflag:s0] =	ssyncadd.s32 @!p0 s1  }
0x4c: {  	[bflag:$0x3] =	sbarrier.arrive $0xFFFF  }
0x4d: {  	_ =	shalt  }

</sc_bundles>
